<compile_context>
chip_gen: v7x
topology: tpu7x:2x2x1
jax: 0.10.2.dev20260603
libtpu: 0.0.44.dev20260713+nightly
codegen_flags: <defaults>
</compile_context>

<pallas_src>
import functools

import jax
import jax.numpy as jnp
from jax import lax
from jax.experimental import pallas as pl
from jax.experimental.pallas import tpu as pltpu
from jax.experimental.pallas import tpu_sc as plsc

T = 16
N_TUBES = 5000
N_ACTIONS = 8
R = N_TUBES + N_ACTIONS
ROIS = 128
FG_PER_IMAGE = 32

_HIGHEST = jax.lax.Precision.HIGHEST


def _dot(a, b):
    return jnp.dot(a, b, precision=_HIGHEST, preferred_element_type=jnp.float32)


def _fiota(shape, dim):
    return jax.lax.broadcasted_iota(jnp.int32, shape, dim).astype(jnp.float32)


def _excl_scan(m):
    n = m.shape[0]
    x = m
    s = 1
    while s < n:
        shifted = jnp.concatenate([jnp.zeros((s, 1), jnp.float32), x[: n - s]], axis=0)
        x = x + shifted
        s *= 2
    return x - m


def _interleave(dx, dy, dw, dh):
    r = _fiota((T, 4 * T), 0)
    c = _fiota((T, 4 * T), 1)
    out = _dot(dx, (c == 4.0 * r).astype(jnp.float32))
    out = out + _dot(dy, (c == 4.0 * r + 1.0).astype(jnp.float32))
    out = out + _dot(dw, (c == 4.0 * r + 2.0).astype(jnp.float32))
    out = out + _dot(dh, (c == 4.0 * r + 3.0).astype(jnp.float32))
    return out



def _kernel_a(tubes_ref, gx1_ref, gy1_ref, gx2_ref, gy2_ref, glab_ref,
              tab_ref, gtab_ref, keep_ref, akeep_ref, lab_out_ref, misc_ref):
    tf = tubes_ref[0]
    gx1 = gx1_ref[0]
    gy1 = gy1_ref[0]
    gx2 = gx2_ref[0]
    gy2 = gy2_ref[0]
    glab = glab_ref[0]

    bx1 = tf[:N_TUBES, 1:2]
    by1 = tf[:N_TUBES, 2:3]
    st = jnp.round(tf[:N_TUBES, 3:4])
    bx2 = tf[:N_TUBES, 4:5]
    by2 = tf[:N_TUBES, 5:6]
    en = jnp.round(tf[:N_TUBES, 6:7])
    fr = _fiota((N_TUBES, T), 1)
    mask = ((fr >= st) & (fr <= en)).astype(jnp.float32)
    rx1 = jnp.concatenate([mask * bx1, gx1], axis=0)
    ry1 = jnp.concatenate([mask * by1, gy1], axis=0)
    rx2 = jnp.concatenate([mask * bx2, gx2], axis=0)
    ry2 = jnp.concatenate([mask * by2, gy2], axis=0)

    tab_ref[0] = jnp.concatenate(
        [rx1, ry1, rx2, ry2, tf, jnp.zeros((R, 128 - 4 * T - 7), jnp.float32)],
        axis=1)

    r_empty = (jnp.abs(rx1) + jnp.abs(ry1) + jnp.abs(rx2) + jnp.abs(ry2)) == 0.0
    g_empty = (jnp.abs(gx1) + jnp.abs(gy1) + jnp.abs(gx2) + jnp.abs(gy2)) == 0.0
    ra = (rx2 - rx1 + 1.0) * (ry2 - ry1 + 1.0)
    ga = (gx2 - gx1 + 1.0) * (gy2 - gy1 + 1.0)

    ov_cols = []
    for j in range(N_ACTIONS):
        iw = jnp.clip(jnp.minimum(rx2, gx2[j:j + 1]) - jnp.maximum(rx1, gx1[j:j + 1]) + 1.0, 0.0)
        ih = jnp.clip(jnp.minimum(ry2, gy2[j:j + 1]) - jnp.maximum(ry1, gy1[j:j + 1]) + 1.0, 0.0)
        inter = iw * ih
        union = jnp.maximum(ra + ga[j:j + 1] - inter, 1e-6)
        either_empty = r_empty | g_empty[j:j + 1]
        iou = jnp.where(either_empty, 0.0, inter / union)
        denom = jnp.maximum(
            jnp.sum((~(r_empty & g_empty[j:j + 1])).astype(jnp.float32),
                    axis=1, keepdims=True), 1.0)
        ov_cols.append(jnp.sum(iou, axis=1, keepdims=True) / denom)
    ov = jnp.concatenate(ov_cols, axis=1)
    mx = jnp.max(ov, axis=1, keepdims=True)
    j8 = _fiota((R, N_ACTIONS), 1)
    asn = jnp.min(jnp.where(ov >= mx, j8, 99.0), axis=1, keepdims=True)

    has = glab != 0.0
    has_any = jnp.any(has, axis=1, keepdims=True)
    ft = _fiota((N_ACTIONS, T), 1)
    first = jnp.min(jnp.where(has, ft, 99.0), axis=1, keepdims=True)
    lab0 = jnp.sum(jnp.where(ft == first, glab, 0.0), axis=1, keepdims=True)
    lab0 = jnp.where(has_any, lab0, 0.0)

    gtab_ref[0] = jnp.concatenate(
        [gx1, gy1, gx2, gy2, lab0,
         jnp.zeros((N_ACTIONS, 128 - 4 * T - 1), jnp.float32)], axis=1)

    fgm = (mx >= 0.5).astype(jnp.float32)
    bgm = ((mx < 0.5) & (mx >= 0.1)).astype(jnp.float32)
    fgn = jnp.sum(fgm, keepdims=True)
    bgn = jnp.sum(bgm, keepdims=True)
    fg_rank = _excl_scan(fgm)
    bg_rank = _excl_scan(bgm)
    k128 = _fiota((R, ROIS), 1)
    idxc = _fiota((R, ROIS), 0)
    fg_order = jnp.sum(
        jnp.where((fgm > 0.0) & (fg_rank == k128), idxc, 0.0), axis=0, keepdims=True)
    bg_order = jnp.sum(
        jnp.where((bgm > 0.0) & (bg_rank == k128), idxc, 0.0), axis=0, keepdims=True)

    arc = _fiota((ROIS, 1), 0)
    both = (fgn > 0.0) & (bgn > 0.0)
    fg_only = (fgn > 0.0) & (bgn == 0.0)
    bg_only = (fgn == 0.0) & (bgn > 0.0)
    fg_this = jnp.where(both, jnp.minimum(float(FG_PER_IMAGE), fgn),
                        jnp.where(fg_only, float(ROIS), 0.0))

    lane128 = _fiota((ROIS, ROIS), 1)

    def gather128(table, pos):
        return jnp.sum(jnp.where(pos == lane128, table, 0.0), axis=1, keepdims=True)

    def fmod(a, n):
        return a - jnp.floor(a / n) * n

    keep_both = jnp.where(
        arc < fg_this,
        gather128(fg_order, jnp.minimum(arc, jnp.maximum(fgn - 1.0, 0.0))),
        gather128(bg_order, fmod(jnp.maximum(arc - fg_this, 0.0),
                                 jnp.maximum(bgn, 1.0))))
    keep_fgo = gather128(fg_order, fmod(arc, jnp.maximum(fgn, 1.0)))
    keep_bgo = gather128(bg_order, fmod(arc, jnp.maximum(bgn, 1.0)))
    keep = jnp.where(both, keep_both, jnp.where(fg_only, keep_fgo, keep_bgo))

    has_gt = jnp.max(lab0, keepdims=True) > 0.0
    valid = (both | fg_only | bg_only) & has_gt
    vf = valid.astype(jnp.float32)

    koh = (keep == _fiota((ROIS, R), 1)).astype(jnp.float32)
    a_keep = _dot(koh, asn)
    oh8 = (a_keep == _fiota((ROIS, N_ACTIONS), 1)).astype(jnp.float32)
    lab_k = _dot(oh8, lab0)
    lab_k = jnp.where(arc < fg_this, lab_k, 0.0)
    lab_k = jnp.where(valid, lab_k, 0.0)

    keep_ref[0] = keep
    akeep_ref[0] = a_keep
    lab_out_ref[0] = lab_k
    misc_ref[0] = vf * jnp.ones((1, 16), jnp.float32)



def _sc_body(tab_hbm, gtab_hbm, keep_hbm, akeep_hbm, rows_hbm, grows_hbm,
             idx_v, rows_v, grows_v, sem):
    wid = lax.axis_index("s") * 2 + lax.axis_index("c")
    nb = rows_hbm.shape[0]

    @pl.when(wid < nb)
    def _():
        pltpu.sync_copy(keep_hbm.at[wid], idx_v)
        for c in range(ROIS // 16):
            idx_v[pl.ds(c * 16, 16)] = idx_v[pl.ds(c * 16, 16)] + wid * R
        pltpu.async_copy(tab_hbm.at[idx_v], rows_v, sem).wait()
        pltpu.sync_copy(rows_v, rows_hbm.at[wid])

        pltpu.sync_copy(akeep_hbm.at[wid], idx_v)
        for c in range(ROIS // 16):
            idx_v[pl.ds(c * 16, 16)] = idx_v[pl.ds(c * 16, 16)] + wid * N_ACTIONS
        pltpu.async_copy(gtab_hbm.at[idx_v], grows_v, sem).wait()
        pltpu.sync_copy(grows_v, grows_hbm.at[wid])


def _sc_gather(tab, gtab, keep, akeep, nb):
    mesh = plsc.VectorSubcoreMesh(core_axis_name="c", subcore_axis_name="s")
    return pl.kernel(
        _sc_body,
        mesh=mesh,
        out_type=[
            jax.ShapeDtypeStruct((nb, ROIS, 128), jnp.float32),
            jax.ShapeDtypeStruct((nb, ROIS, 128), jnp.float32),
        ],
        scratch_types=[
            pltpu.VMEM((ROIS,), jnp.int32),
            pltpu.VMEM((ROIS, 128), jnp.float32),
            pltpu.VMEM((ROIS, 128), jnp.float32),
            pltpu.SemaphoreType.DMA,
        ],
    )(tab, gtab, keep, akeep)



def _kernel_c(rows_ref, grows_ref, lab_ref_in, misc_ref,
              rois_ref, tubes_out_ref, bt_ref, bi_ref, bo_ref):
    b = pl.program_id(0)
    rows = rows_ref[0]
    grows = grows_ref[0]
    lab_k = lab_ref_in[0]
    vf = misc_ref[0][:, 0:1]

    ex1 = rows[:, 0:T] * vf
    ey1 = rows[:, T:2 * T] * vf
    ex2 = rows[:, 2 * T:3 * T] * vf
    ey2 = rows[:, 3 * T:4 * T] * vf
    tub_k = rows[:, 4 * T:4 * T + 7] * vf
    gx1k = grows[:, 0:T] * vf
    gy1k = grows[:, T:2 * T] * vf
    gx2k = grows[:, 2 * T:3 * T] * vf
    gy2k = grows[:, 3 * T:4 * T] * vf

    rois64 = _interleave(ex1, ey1, ex2, ey2)
    bcol = jnp.full((ROIS, 1), 1.0, jnp.float32) * b.astype(jnp.float32)
    rois_ref[0] = jnp.concatenate([bcol, rois64], axis=1)
    tubes_out_ref[0] = tub_k

    ew = jnp.maximum(ex2 - ex1 + 1.0, 1e-3)
    eh = jnp.maximum(ey2 - ey1 + 1.0, 1e-3)
    ecx = ex1 + 0.5 * ew
    ecy = ey1 + 0.5 * eh
    gw = jnp.maximum(gx2k - gx1k + 1.0, 1e-3)
    gh = jnp.maximum(gy2k - gy1k + 1.0, 1e-3)
    gcx = gx1k + 0.5 * gw
    gcy = gy1k + 0.5 * gh
    dx = (gcx - ecx) / ew
    dy = (gcy - ecy) / eh
    dw = jnp.log(gw / ew)
    dh = jnp.log(gh / eh)
    t64 = _interleave(dx, dy, dw, dh)

    lane64 = _fiota((1, 4 * T), 1)
    m4 = lane64 - 4.0 * jnp.floor(lane64 / 4.0)
    stds = jnp.where(m4 < 2.0, 0.1, 0.2)
    t64 = t64 / stds

    pos = (lab_k > 0.0).astype(jnp.float32)
    bt_ref[0] = t64 * pos
    inside = pos * jnp.ones((1, 4 * T), jnp.float32)
    bi_ref[0] = inside
    bo_ref[0] = (inside > 0.0).astype(jnp.float32)


@jax.jit
def kernel(all_tubes, gt_boxes, gt_tubes_all):
    nb = gt_boxes.shape[0]
    na = gt_boxes.shape[1]
    gt_append = jnp.concatenate(
        [jnp.zeros((nb, na, 1), all_tubes.dtype), gt_tubes_all[:, :, :6]], axis=2)
    tubes_full = jnp.concatenate([all_tubes, gt_append], axis=1)
    gx1 = gt_boxes[..., 0]
    gy1 = gt_boxes[..., 1]
    gx2 = gt_boxes[..., 2]
    gy2 = gt_boxes[..., 3]
    glab = gt_boxes[..., 4]

    spec3 = lambda s2, s3: pl.BlockSpec((1, s2, s3), lambda i: (i, 0, 0))
    tab, gtab, keep, akeep, labels, misc = pl.pallas_call(
        _kernel_a,
        grid=(nb,),
        in_specs=[spec3(R, 7), spec3(na, T), spec3(na, T), spec3(na, T),
                  spec3(na, T), spec3(na, T)],
        out_specs=[spec3(R, 128), spec3(na, 128), spec3(ROIS, 1),
                   spec3(ROIS, 1), spec3(ROIS, 1), spec3(1, 16)],
        out_shape=[
            jax.ShapeDtypeStruct((nb, R, 128), jnp.float32),
            jax.ShapeDtypeStruct((nb, na, 128), jnp.float32),
            jax.ShapeDtypeStruct((nb, ROIS, 1), jnp.float32),
            jax.ShapeDtypeStruct((nb, ROIS, 1), jnp.float32),
            jax.ShapeDtypeStruct((nb, ROIS, 1), jnp.float32),
            jax.ShapeDtypeStruct((nb, 1, 16), jnp.float32),
        ],
    )(tubes_full, gx1, gy1, gx2, gy2, glab)

    keepi = keep.astype(jnp.int32).reshape(nb, ROIS)
    akeepi = akeep.astype(jnp.int32).reshape(nb, ROIS)
    rows, grows = _sc_gather(tab.reshape(nb * R, 128), gtab.reshape(nb * na, 128),
                             keepi, akeepi, nb)

    out = pl.pallas_call(
        _kernel_c,
        grid=(nb,),
        in_specs=[spec3(ROIS, 128), spec3(ROIS, 128), spec3(ROIS, 1),
                  spec3(1, 16)],
        out_specs=[spec3(ROIS, 4 * T + 1), spec3(ROIS, 7),
                   spec3(ROIS, 4 * T), spec3(ROIS, 4 * T), spec3(ROIS, 4 * T)],
        out_shape=[
            jax.ShapeDtypeStruct((nb, ROIS, 4 * T + 1), jnp.float32),
            jax.ShapeDtypeStruct((nb, ROIS, 7), jnp.float32),
            jax.ShapeDtypeStruct((nb, ROIS, 4 * T), jnp.float32),
            jax.ShapeDtypeStruct((nb, ROIS, 4 * T), jnp.float32),
            jax.ShapeDtypeStruct((nb, ROIS, 4 * T), jnp.float32),
        ],
    )(rows, grows, labels, misc)
    rois_b, tubes_b, bt, bi, bo = out
    return rois_b, tubes_b, labels.reshape(nb, ROIS), bt, bi, bo

# --- scband reference (transcript-rebuilt; emitter-appended) ---
"""Pipeline reference for scband-regression-target-layer-73907797229925 (READ-ONLY COPY).

The authoritative reference and input builder live on the scoring server;
editing this copy changes nothing except your own understanding.
"""

import jax, jax.numpy as jnp
import numpy as np

T = 16
B = 4
N_TUBES = 5000
N_ACTIONS = 8
ROIS_PER_IMAGE = 128
FG_PER_IMAGE = 32
FG_THRESH = 0.5
BG_THRESH_HI = 0.5
BG_THRESH_LO = 0.1
MEANS = jnp.tile(jnp.array([0.0, 0.0, 0.0, 0.0], jnp.float32), T)
STDS = jnp.tile(jnp.array([0.1, 0.1, 0.2, 0.2], jnp.float32), T)
IW = jnp.tile(jnp.array([1.0, 1.0, 1.0, 1.0], jnp.float32), T)


def setup_inputs(seed: int = 0):
    key = jax.random.key(seed)
    ks = jax.random.split(key, 12)
    x1 = jax.random.uniform(ks[0], (B, N_TUBES)) * 200.0
    y1 = jax.random.uniform(ks[1], (B, N_TUBES)) * 200.0
    x2 = x1 + 1.0 + jax.random.uniform(ks[2], (B, N_TUBES)) * 120.0
    y2 = y1 + 1.0 + jax.random.uniform(ks[3], (B, N_TUBES)) * 120.0
    start = jax.random.randint(ks[4], (B, N_TUBES), 0, T // 2).astype(jnp.float32)
    end = jnp.clip(start + jax.random.randint(ks[5], (B, N_TUBES), 1, T).astype(jnp.float32), 0.0, float(T - 1))
    bidx = jnp.broadcast_to(jnp.arange(B, dtype=jnp.float32)[:, None], (B, N_TUBES))
    all_tubes = jnp.stack([bidx, x1, y1, start, x2, y2, end], axis=-1)
    gx1 = jax.random.uniform(ks[6], (B, N_ACTIONS, T)) * 200.0
    gy1 = jax.random.uniform(ks[7], (B, N_ACTIONS, T)) * 200.0
    gx2 = gx1 + 1.0 + jax.random.uniform(ks[8], (B, N_ACTIONS, T)) * 120.0
    gy2 = gy1 + 1.0 + jax.random.uniform(ks[9], (B, N_ACTIONS, T)) * 120.0
    cls = jax.random.randint(ks[10], (B, N_ACTIONS), 0, 22).astype(jnp.float32)
    valid = (cls > 0).astype(jnp.float32)
    lbl = jnp.broadcast_to(cls[:, :, None], (B, N_ACTIONS, T))
    gt_boxes = jnp.stack([gx1, gy1, gx2, gy2, lbl], axis=-1) * valid[:, :, None, None]
    zero = jnp.zeros((B, N_ACTIONS), jnp.float32)
    gt_tubes_all = jnp.stack([zero, gx1.min(-1), gy1.min(-1), zero, gx2.max(-1), gy2.max(-1), jnp.full((B, N_ACTIONS), float(T - 1))], axis=-1) * valid[:, :, None]
    return {"all_tubes": all_tubes, "gt_boxes": gt_boxes, "gt_tubes_all": gt_tubes_all}


def _bbox_transform_rois(ex, gt):
    ex = ex.reshape(-1, T, 4)
    gt = gt.reshape(-1, T, 4)
    ew = jnp.maximum(ex[..., 2] - ex[..., 0] + 1.0, 1e-3)
    eh = jnp.maximum(ex[..., 3] - ex[..., 1] + 1.0, 1e-3)
    ecx = ex[..., 0] + 0.5 * ew
    ecy = ex[..., 1] + 0.5 * eh
    gw = jnp.maximum(gt[..., 2] - gt[..., 0] + 1.0, 1e-3)
    gh = jnp.maximum(gt[..., 3] - gt[..., 1] + 1.0, 1e-3)
    gcx = gt[..., 0] + 0.5 * gw
    gcy = gt[..., 1] + 0.5 * gh
    dx = (gcx - ecx) / ew
    dy = (gcy - ecy) / eh
    dw = jnp.log(gw / ew)
    dh = jnp.log(gh / eh)
    return jnp.stack([dx, dy, dw, dh], axis=-1).reshape(-1, T * 4)


def _tube_overlaps(rois, gts):
    r = rois.reshape(-1, T, 4)[:, None]
    g = gts.reshape(-1, T, 4)[None]
    ix1 = jnp.maximum(r[..., 0], g[..., 0])
    iy1 = jnp.maximum(r[..., 1], g[..., 1])
    ix2 = jnp.minimum(r[..., 2], g[..., 2])
    iy2 = jnp.minimum(r[..., 3], g[..., 3])
    iw = jnp.clip(ix2 - ix1 + 1.0, 0.0)
    ih = jnp.clip(iy2 - iy1 + 1.0, 0.0)
    inter = iw * ih
    ra = (r[..., 2] - r[..., 0] + 1.0) * (r[..., 3] - r[..., 1] + 1.0)
    ga = (g[..., 2] - g[..., 0] + 1.0) * (g[..., 3] - g[..., 1] + 1.0)
    r_empty = jnp.abs(r).sum(-1) == 0
    g_empty = jnp.abs(g).sum(-1) == 0
    union = jnp.maximum(ra + ga - inter, 1e-6)
    iou = jnp.where(r_empty | g_empty, 0.0, inter / union)
    valid = ~(r_empty & g_empty)
    return iou.sum(-1) / jnp.maximum(valid.sum(-1).astype(jnp.float32), 1.0)


def _forward(all_tubes, gt_boxes, gt_tubes_all):
    b = gt_boxes.shape[0]
    na = gt_boxes.shape[1]
    R0 = all_tubes.shape[1]
    gt_tubes = gt_boxes[..., :4].reshape(b, na, T * 4)
    frame_lbl = gt_boxes[..., 4]
    has = frame_lbl != 0
    first = jnp.argmax(has, axis=-1)
    labels0 = jnp.where(has.any(-1), jnp.take_along_axis(frame_lbl, first[..., None], axis=-1)[..., 0], 0.0)
    gt_tubes = jnp.concatenate([gt_tubes, labels0[..., None]], axis=2)
    fr = jnp.arange(T, dtype=jnp.float32)
    start = jnp.round(all_tubes[..., 3])
    end = jnp.round(all_tubes[..., 6])
    mask = (fr[None, None, :] >= start[..., None]) & (fr[None, None, :] <= end[..., None])
    box = all_tubes[..., jnp.array([1, 2, 4, 5])]
    all_rois = mask[..., None].astype(all_tubes.dtype) * box[:, :, None, :]
    offset = jnp.broadcast_to(jnp.arange(b, dtype=all_tubes.dtype)[:, None, None], (b, R0, 1))
    all_rois = jnp.concatenate([offset, all_rois.reshape(b, R0, T * 4)], axis=2)
    gt_boxes_append = jnp.concatenate([jnp.zeros((b, na, 1), all_rois.dtype), gt_tubes[:, :, :-1]], axis=2)
    gt_tubes_append = jnp.concatenate([jnp.zeros((b, na, 1), all_tubes.dtype), gt_tubes_all[:, :, :-1]], axis=2)
    all_rois = jnp.concatenate([all_rois, gt_boxes_append], axis=1)
    tubes_all = jnp.concatenate([all_tubes, gt_tubes_append], axis=1)
    overlaps = jax.vmap(lambda r, g: _tube_overlaps(r[:, 1:], g[:, :-1]))(all_rois, gt_tubes)
    max_ov = overlaps.max(-1)
    gt_assign = overlaps.argmax(-1)
    labels_all = jnp.take_along_axis(gt_tubes[:, :, -1], gt_assign, axis=1)

    def sample_one(max_ov_i, labels_i, rois_i, tubes_i, gt_tubes_i, gt_assign_i):
        fg = max_ov_i >= FG_THRESH
        bg = (max_ov_i < BG_THRESH_HI) & (max_ov_i >= BG_THRESH_LO)
        fg_num = fg.sum()
        bg_num = bg.sum()
        fg_order = jnp.argsort(jnp.where(fg, 0, 1))
        bg_order = jnp.argsort(jnp.where(bg, 0, 1))
        ar = jnp.arange(ROIS_PER_IMAGE)
        both = (fg_num > 0) & (bg_num > 0)
        fg_only = (fg_num > 0) & (bg_num == 0)
        bg_only = (fg_num == 0) & (bg_num > 0)
        fg_this = jnp.where(both, jnp.minimum(FG_PER_IMAGE, fg_num), jnp.where(fg_only, ROIS_PER_IMAGE, 0))
        keep_both = jnp.where(ar < fg_this, fg_order[jnp.minimum(ar, jnp.maximum(fg_num - 1, 0))], bg_order[jnp.mod(jnp.maximum(ar - fg_this, 0), jnp.maximum(bg_num, 1))])
        keep_fgo = fg_order[jnp.mod(ar, jnp.maximum(fg_num, 1))]
        keep_bgo = bg_order[jnp.mod(ar, jnp.maximum(bg_num, 1))]
        keep = jnp.where(both, keep_both, jnp.where(fg_only, keep_fgo, keep_bgo))
        has_gt = (gt_tubes_i[:, -1] > 0).any()
        valid = (both | fg_only | bg_only) & has_gt
        lab = labels_i[keep]
        lab = jnp.where(ar < fg_this, lab, 0.0)
        lab = jnp.where(valid, lab, 0.0)
        vf = valid.astype(rois_i.dtype)
        rois_k = rois_i[keep] * vf
        tubes_k = tubes_i[keep] * vf
        gt_k = gt_tubes_i[gt_assign_i[keep]] * vf
        return lab, rois_k, tubes_k, gt_k

    labels_b, rois_b, tubes_b, gt_b = jax.vmap(sample_one)(max_ov, labels_all, all_rois, tubes_all, gt_tubes, gt_assign)
    rois_b = rois_b.at[:, :, 0].set(jnp.broadcast_to(jnp.arange(b, dtype=rois_b.dtype)[:, None], (b, ROIS_PER_IMAGE)))
    targets = _bbox_transform_rois(rois_b[:, :, 1:].reshape(-1, T * 4), gt_b[:, :, :T * 4].reshape(-1, T * 4))
    targets = targets.reshape(b, ROIS_PER_IMAGE, T * 4)
    targets = (targets - MEANS) / STDS
    pos = (labels_b > 0).astype(targets.dtype)[..., None]
    bbox_targets = targets * pos
    bbox_inside = jnp.broadcast_to(IW, bbox_targets.shape) * pos
    bbox_outside = (bbox_inside > 0).astype(jnp.float32)
    return rois_b, tubes_b, labels_b, bbox_targets, bbox_inside, bbox_outside


def reference(all_tubes, gt_boxes, gt_tubes_all):
    return _forward(all_tubes, gt_boxes, gt_tubes_all)

if __name__ == "__main__":
    import jax
    _d = setup_inputs()
    print(jax.jit(kernel)(*tuple(_d.values())))

</pallas_src>

<mosaic_0001>
#map = affine_map<(d0, d1) -> (0, 0)>
#map1 = affine_map<(d0, d1) -> (0, 0, 0)>
module attributes {stable_mosaic.version = 14 : i64} {
  func.func @_sc_body(%arg0: i32, %arg1: i32, %arg2: memref<20032x128xf32, #tpu.memory_space<hbm>>, %arg3: memref<32x128xf32, #tpu.memory_space<hbm>>, %arg4: memref<4x128xi32, #tpu.memory_space<hbm>>, %arg5: memref<4x128xi32, #tpu.memory_space<hbm>>, %arg6: memref<4x128x128xf32, #tpu.memory_space<hbm>>, %arg7: memref<4x128x128xf32, #tpu.memory_space<hbm>>, %arg8: memref<128xi32, #tpu.memory_space<vmem>>, %arg9: memref<128x128xf32, #tpu.memory_space<vmem>>, %arg10: memref<128x128xf32, #tpu.memory_space<vmem>>, %arg11: memref<!tpu.dma_semaphore, #tpu.memory_space<semaphore_mem>>) attributes {dimension_semantics = [#tpu.dimension_semantics<core_parallel>, #tpu.dimension_semantics<subcore_parallel>], iteration_bounds = array<i64: 2, 16>, scalar_prefetch = 0 : i64, scratch_operands = 4 : i64, tpu.core_type = #tpu.core_type<sc_vector_subcore>, window_params = [{transform_indices = #map}, {transform_indices = #map}, {transform_indices = #map}, {transform_indices = #map}, {transform_indices = #map1}, {transform_indices = #map1}]} {
    %mul3A = arith.constant 2 : i32
    %mul3A_0 = arith.muli %arg1, %mul3A : i32
    %add3A = arith.addi %mul3A_0, %arg0 : i32
    %lt3A = arith.constant 4 : i32
    %lt3A_1 = arith.cmpi slt, %add3A, %lt3A : i32
    %convert_element_type3A = arith.extui %lt3A_1 : i1 to i32
    %cond3A = arith.constant 0 : i32
    %cond3A_2 = arith.cmpi ne, %convert_element_type3A, %cond3A : i32
    scf.if %cond3A_2 {
      "tpu.region"() ({
        %run_scoped3A = tpu.sem_alloc : memref<!tpu.dma_semaphore, #tpu.memory_space<semaphore_mem>>
        %dma_start3A_187 = arith.constant 0 : i32
        %dma_start3A_188 = tpu.memref_slice %arg4[%add3A, %dma_start3A_187] : memref<4x128xi32, #tpu.memory_space<hbm>> -> memref<1x128xi32, #tpu.memory_space<hbm>>
        %dma_start3A_189 = tpu.memref_squeeze %dma_start3A_188 : memref<1x128xi32, #tpu.memory_space<hbm>> -> memref<128xi32, #tpu.memory_space<hbm>>
        %dma_start3A_190 = arith.constant 0 : i32
        %dma_start3A_191 = tpu.memref_slice %arg4[%add3A, %dma_start3A_190] : memref<4x128xi32, #tpu.memory_space<hbm>> -> memref<1x128xi32, #tpu.memory_space<hbm>>
        %dma_start3A_192 = tpu.memref_squeeze %dma_start3A_191 : memref<1x128xi32, #tpu.memory_space<hbm>> -> memref<128xi32, #tpu.memory_space<hbm>>
        tpu.enqueue_dma source(%dma_start3A_192 : memref<128xi32, #tpu.memory_space<hbm>>) target(%arg8 : memref<128xi32, #tpu.memory_space<vmem>>) target_semaphore(%run_scoped3A : memref<!tpu.dma_semaphore, #tpu.memory_space<semaphore_mem>>)
        %dma_wait3A_193 = arith.constant 0 : i32
        %dma_wait3A_194 = tpu.memref_slice %arg4[%add3A, %dma_wait3A_193] : memref<4x128xi32, #tpu.memory_space<hbm>> -> memref<1x128xi32, #tpu.memory_space<hbm>>
        %dma_wait3A_195 = tpu.memref_squeeze %dma_wait3A_194 : memref<1x128xi32, #tpu.memory_space<hbm>> -> memref<128xi32, #tpu.memory_space<hbm>>
        %dma_wait3A_196 = arith.constant 0 : i32
        %dma_wait3A_197 = tpu.memref_slice %arg4[%add3A, %dma_wait3A_196] : memref<4x128xi32, #tpu.memory_space<hbm>> -> memref<1x128xi32, #tpu.memory_space<hbm>>
        %dma_wait3A_198 = tpu.memref_squeeze %dma_wait3A_197 : memref<1x128xi32, #tpu.memory_space<hbm>> -> memref<128xi32, #tpu.memory_space<hbm>>
        tpu.wait_dma2 semaphore(%run_scoped3A : memref<!tpu.dma_semaphore, #tpu.memory_space<semaphore_mem>>) src(%dma_wait3A_198 : memref<128xi32, #tpu.memory_space<hbm>>) dst(%arg8 : memref<128xi32, #tpu.memory_space<vmem>>)
        tpu.yield
      }) : () -> ()
      %get3A = arith.constant 0 : index
      %get3A_3 = tpu.vector_load %arg8[%get3A] {strides = array<i32>} : memref<128xi32, #tpu.memory_space<vmem>>, vector<16xi32>,
      %get3A_4 = vector.shape_cast %get3A_3 : vector<16xi32> to vector<16xi32>
      %mul3A_5 = arith.constant 5008 : i32
      %mul3A_6 = arith.muli %add3A, %mul3A_5 : i32
      %add3A_7 = vector.broadcast %mul3A_6 : i32 to vector<16xi32>
      %add3A_8 = arith.addi %get3A_4, %add3A_7 : vector<16xi32>
      %swap3A = arith.constant 0 : index
      %swap3A_9 = tpu.vector_load %arg8[%swap3A] {strides = array<i32>} : memref<128xi32, #tpu.memory_space<vmem>>, vector<16xi32>,
      %swap3A_10 = vector.shape_cast %swap3A_9 : vector<16xi32> to vector<16xi32>
      %swap3A_11 = vector.shape_cast %add3A_8 : vector<16xi32> to vector<16xi32>
      tpu.vector_store %arg8[%swap3A], %swap3A_11 {strides = array<i32>} : memref<128xi32, #tpu.memory_space<vmem>>, vector<16xi32>,
      %get3A_12 = arith.constant 16 : index
      %get3A_13 = tpu.vector_load %arg8[%get3A_12] {strides = array<i32>} : memref<128xi32, #tpu.memory_space<vmem>>, vector<16xi32>,
      %get3A_14 = vector.shape_cast %get3A_13 : vector<16xi32> to vector<16xi32>
      %mul3A_15 = arith.constant 5008 : i32
      %mul3A_16 = arith.muli %add3A, %mul3A_15 : i32
      %add3A_17 = vector.broadcast %mul3A_16 : i32 to vector<16xi32>
      %add3A_18 = arith.addi %get3A_14, %add3A_17 : vector<16xi32>
      %swap3A_19 = arith.constant 16 : index
      %swap3A_20 = tpu.vector_load %arg8[%swap3A_19] {strides = array<i32>} : memref<128xi32, #tpu.memory_space<vmem>>, vector<16xi32>,
      %swap3A_21 = vector.shape_cast %swap3A_20 : vector<16xi32> to vector<16xi32>
      %swap3A_22 = vector.shape_cast %add3A_18 : vector<16xi32> to vector<16xi32>
      tpu.vector_store %arg8[%swap3A_19], %swap3A_22 {strides = array<i32>} : memref<128xi32, #tpu.memory_space<vmem>>, vector<16xi32>,
      %get3A_23 = arith.constant 32 : index
      %get3A_24 = tpu.vector_load %arg8[%get3A_23] {strides = array<i32>} : memref<128xi32, #tpu.memory_space<vmem>>, vector<16xi32>,
      %get3A_25 = vector.shape_cast %get3A_24 : vector<16xi32> to vector<16xi32>
      %mul3A_26 = arith.constant 5008 : i32
      %mul3A_27 = arith.muli %add3A, %mul3A_26 : i32
      %add3A_28 = vector.broadcast %mul3A_27 : i32 to vector<16xi32>
      %add3A_29 = arith.addi %get3A_25, %add3A_28 : vector<16xi32>
      %swap3A_30 = arith.constant 32 : index
      %swap3A_31 = tpu.vector_load %arg8[%swap3A_30] {strides = array<i32>} : memref<128xi32, #tpu.memory_space<vmem>>, vector<16xi32>,
      %swap3A_32 = vector.shape_cast %swap3A_31 : vector<16xi32> to vector<16xi32>
      %swap3A_33 = vector.shape_cast %add3A_29 : vector<16xi32> to vector<16xi32>
      tpu.vector_store %arg8[%swap3A_30], %swap3A_33 {strides = array<i32>} : memref<128xi32, #tpu.memory_space<vmem>>, vector<16xi32>,
      %get3A_34 = arith.constant 48 : index
      %get3A_35 = tpu.vector_load %arg8[%get3A_34] {strides = array<i32>} : memref<128xi32, #tpu.memory_space<vmem>>, vector<16xi32>,
      %get3A_36 = vector.shape_cast %get3A_35 : vector<16xi32> to vector<16xi32>
      %mul3A_37 = arith.constant 5008 : i32
      %mul3A_38 = arith.muli %add3A, %mul3A_37 : i32
      %add3A_39 = vector.broadcast %mul3A_38 : i32 to vector<16xi32>
      %add3A_40 = arith.addi %get3A_36, %add3A_39 : vector<16xi32>
      %swap3A_41 = arith.constant 48 : index
      %swap3A_42 = tpu.vector_load %arg8[%swap3A_41] {strides = array<i32>} : memref<128xi32, #tpu.memory_space<vmem>>, vector<16xi32>,
      %swap3A_43 = vector.shape_cast %swap3A_42 : vector<16xi32> to vector<16xi32>
      %swap3A_44 = vector.shape_cast %add3A_40 : vector<16xi32> to vector<16xi32>
      tpu.vector_store %arg8[%swap3A_41], %swap3A_44 {strides = array<i32>} : memref<128xi32, #tpu.memory_space<vmem>>, vector<16xi32>,
      %get3A_45 = arith.constant 64 : index
      %get3A_46 = tpu.vector_load %arg8[%get3A_45] {strides = array<i32>} : memref<128xi32, #tpu.memory_space<vmem>>, vector<16xi32>,
      %get3A_47 = vector.shape_cast %get3A_46 : vector<16xi32> to vector<16xi32>
      %mul3A_48 = arith.constant 5008 : i32
      %mul3A_49 = arith.muli %add3A, %mul3A_48 : i32
      %add3A_50 = vector.broadcast %mul3A_49 : i32 to vector<16xi32>
      %add3A_51 = arith.addi %get3A_47, %add3A_50 : vector<16xi32>
      %swap3A_52 = arith.constant 64 : index
      %swap3A_53 = tpu.vector_load %arg8[%swap3A_52] {strides = array<i32>} : memref<128xi32, #tpu.memory_space<vmem>>, vector<16xi32>,
      %swap3A_54 = vector.shape_cast %swap3A_53 : vector<16xi32> to vector<16xi32>
      %swap3A_55 = vector.shape_cast %add3A_51 : vector<16xi32> to vector<16xi32>
      tpu.vector_store %arg8[%swap3A_52], %swap3A_55 {strides = array<i32>} : memref<128xi32, #tpu.memory_space<vmem>>, vector<16xi32>,
      %get3A_56 = arith.constant 80 : index
      %get3A_57 = tpu.vector_load %arg8[%get3A_56] {strides = array<i32>} : memref<128xi32, #tpu.memory_space<vmem>>, vector<16xi32>,
      %get3A_58 = vector.shape_cast %get3A_57 : vector<16xi32> to vector<16xi32>
      %mul3A_59 = arith.constant 5008 : i32
      %mul3A_60 = arith.muli %add3A, %mul3A_59 : i32
      %add3A_61 = vector.broadcast %mul3A_60 : i32 to vector<16xi32>
      %add3A_62 = arith.addi %get3A_58, %add3A_61 : vector<16xi32>
      %swap3A_63 = arith.constant 80 : index
      %swap3A_64 = tpu.vector_load %arg8[%swap3A_63] {strides = array<i32>} : memref<128xi32, #tpu.memory_space<vmem>>, vector<16xi32>,
      %swap3A_65 = vector.shape_cast %swap3A_64 : vector<16xi32> to vector<16xi32>
      %swap3A_66 = vector.shape_cast %add3A_62 : vector<16xi32> to vector<16xi32>
      tpu.vector_store %arg8[%swap3A_63], %swap3A_66 {strides = array<i32>} : memref<128xi32, #tpu.memory_space<vmem>>, vector<16xi32>,
      %get3A_67 = arith.constant 96 : index
      %get3A_68 = tpu.vector_load %arg8[%get3A_67] {strides = array<i32>} : memref<128xi32, #tpu.memory_space<vmem>>, vector<16xi32>,
      %get3A_69 = vector.shape_cast %get3A_68 : vector<16xi32> to vector<16xi32>
      %mul3A_70 = arith.constant 5008 : i32
      %mul3A_71 = arith.muli %add3A, %mul3A_70 : i32
      %add3A_72 = vector.broadcast %mul3A_71 : i32 to vector<16xi32>
      %add3A_73 = arith.addi %get3A_69, %add3A_72 : vector<16xi32>
      %swap3A_74 = arith.constant 96 : index
      %swap3A_75 = tpu.vector_load %arg8[%swap3A_74] {strides = array<i32>} : memref<128xi32, #tpu.memory_space<vmem>>, vector<16xi32>,
      %swap3A_76 = vector.shape_cast %swap3A_75 : vector<16xi32> to vector<16xi32>
      %swap3A_77 = vector.shape_cast %add3A_73 : vector<16xi32> to vector<16xi32>
      tpu.vector_store %arg8[%swap3A_74], %swap3A_77 {strides = array<i32>} : memref<128xi32, #tpu.memory_space<vmem>>, vector<16xi32>,
      %get3A_78 = arith.constant 112 : index
      %get3A_79 = tpu.vector_load %arg8[%get3A_78] {strides = array<i32>} : memref<128xi32, #tpu.memory_space<vmem>>, vector<16xi32>,
      %get3A_80 = vector.shape_cast %get3A_79 : vector<16xi32> to vector<16xi32>
      %mul3A_81 = arith.constant 5008 : i32
      %mul3A_82 = arith.muli %add3A, %mul3A_81 : i32
      %add3A_83 = vector.broadcast %mul3A_82 : i32 to vector<16xi32>
      %add3A_84 = arith.addi %get3A_80, %add3A_83 : vector<16xi32>
      %swap3A_85 = arith.constant 112 : index
      %swap3A_86 = tpu.vector_load %arg8[%swap3A_85] {strides = array<i32>} : memref<128xi32, #tpu.memory_space<vmem>>, vector<16xi32>,
      %swap3A_87 = vector.shape_cast %swap3A_86 : vector<16xi32> to vector<16xi32>
      %swap3A_88 = vector.shape_cast %add3A_84 : vector<16xi32> to vector<16xi32>
      tpu.vector_store %arg8[%swap3A_85], %swap3A_88 {strides = array<i32>} : memref<128xi32, #tpu.memory_space<vmem>>, vector<16xi32>,
      %dma_start3A = arith.constant 0 : i32
      %dma_start3A_89 = arith.constant 0 : i32
      %dma_start3A_90 = tpu.memref_slice %arg2[%dma_start3A, %dma_start3A_89] : memref<20032x128xf32, #tpu.memory_space<hbm>> -> memref<20032x128xf32, #tpu.memory_space<hbm>>
      tpu.enqueue_indirect_dma source(%dma_start3A_90 : memref<20032x128xf32, #tpu.memory_space<hbm>>) target(%arg9 : memref<128x128xf32, #tpu.memory_space<vmem>>) offsets(%arg8 : memref<128xi32, #tpu.memory_space<vmem>>) semaphore(%arg11 : memref<!tpu.dma_semaphore, #tpu.memory_space<semaphore_mem>>)
      %dma_wait3A = arith.constant 0 : i32
      %dma_wait3A_91 = arith.constant 0 : i32
      %dma_wait3A_92 = tpu.memref_slice %arg2[%dma_wait3A, %dma_wait3A_91] : memref<20032x128xf32, #tpu.memory_space<hbm>> -> memref<20032x128xf32, #tpu.memory_space<hbm>>
      tpu.wait_indirect_dma semaphore(%arg11 : memref<!tpu.dma_semaphore, #tpu.memory_space<semaphore_mem>>) src(%dma_wait3A_92 : memref<20032x128xf32, #tpu.memory_space<hbm>>) dst(%arg9 : memref<128x128xf32, #tpu.memory_space<vmem>>)
      "tpu.region"() ({
        %run_scoped3A = tpu.sem_alloc : memref<!tpu.dma_semaphore, #tpu.memory_space<semaphore_mem>>
        %dma_start3A_187 = arith.constant 0 : i32
        %dma_start3A_188 = arith.constant 0 : i32
        %dma_start3A_189 = tpu.memref_slice %arg6[%add3A, %dma_start3A_187, %dma_start3A_188] : memref<4x128x128xf32, #tpu.memory_space<hbm>> -> memref<1x128x128xf32, #tpu.memory_space<hbm>>
        %dma_start3A_190 = tpu.memref_squeeze %dma_start3A_189 : memref<1x128x128xf32, #tpu.memory_space<hbm>> -> memref<128x128xf32, #tpu.memory_space<hbm>>
        %dma_start3A_191 = arith.constant 0 : i32
        %dma_start3A_192 = arith.constant 0 : i32
        %dma_start3A_193 = tpu.memref_slice %arg6[%add3A, %dma_start3A_191, %dma_start3A_192] : memref<4x128x128xf32, #tpu.memory_space<hbm>> -> memref<1x128x128xf32, #tpu.memory_space<hbm>>
        %dma_start3A_194 = tpu.memref_squeeze %dma_start3A_193 : memref<1x128x128xf32, #tpu.memory_space<hbm>> -> memref<128x128xf32, #tpu.memory_space<hbm>>
        tpu.enqueue_dma source(%arg9 : memref<128x128xf32, #tpu.memory_space<vmem>>) target(%dma_start3A_194 : memref<128x128xf32, #tpu.memory_space<hbm>>) target_semaphore(%run_scoped3A : memref<!tpu.dma_semaphore, #tpu.memory_space<semaphore_mem>>)
        %dma_wait3A_195 = arith.constant 0 : i32
        %dma_wait3A_196 = arith.constant 0 : i32
        %dma_wait3A_197 = tpu.memref_slice %arg6[%add3A, %dma_wait3A_195, %dma_wait3A_196] : memref<4x128x128xf32, #tpu.memory_space<hbm>> -> memref<1x128x128xf32, #tpu.memory_space<hbm>>
        %dma_wait3A_198 = tpu.memref_squeeze %dma_wait3A_197 : memref<1x128x128xf32, #tpu.memory_space<hbm>> -> memref<128x128xf32, #tpu.memory_space<hbm>>
        %dma_wait3A_199 = arith.constant 0 : i32
        %dma_wait3A_200 = arith.constant 0 : i32
        %dma_wait3A_201 = tpu.memref_slice %arg6[%add3A, %dma_wait3A_199, %dma_wait3A_200] : memref<4x128x128xf32, #tpu.memory_space<hbm>> -> memref<1x128x128xf32, #tpu.memory_space<hbm>>
        %dma_wait3A_202 = tpu.memref_squeeze %dma_wait3A_201 : memref<1x128x128xf32, #tpu.memory_space<hbm>> -> memref<128x128xf32, #tpu.memory_space<hbm>>
        tpu.wait_dma2 semaphore(%run_scoped3A : memref<!tpu.dma_semaphore, #tpu.memory_space<semaphore_mem>>) src(%arg9 : memref<128x128xf32, #tpu.memory_space<vmem>>) dst(%dma_wait3A_202 : memref<128x128xf32, #tpu.memory_space<hbm>>)
        tpu.yield
      }) : () -> ()
      "tpu.region"() ({
        %run_scoped3A = tpu.sem_alloc : memref<!tpu.dma_semaphore, #tpu.memory_space<semaphore_mem>>
        %dma_start3A_187 = arith.constant 0 : i32
        %dma_start3A_188 = tpu.memref_slice %arg5[%add3A, %dma_start3A_187] : memref<4x128xi32, #tpu.memory_space<hbm>> -> memref<1x128xi32, #tpu.memory_space<hbm>>
        %dma_start3A_189 = tpu.memref_squeeze %dma_start3A_188 : memref<1x128xi32, #tpu.memory_space<hbm>> -> memref<128xi32, #tpu.memory_space<hbm>>
        %dma_start3A_190 = arith.constant 0 : i32
        %dma_start3A_191 = tpu.memref_slice %arg5[%add3A, %dma_start3A_190] : memref<4x128xi32, #tpu.memory_space<hbm>> -> memref<1x128xi32, #tpu.memory_space<hbm>>
        %dma_start3A_192 = tpu.memref_squeeze %dma_start3A_191 : memref<1x128xi32, #tpu.memory_space<hbm>> -> memref<128xi32, #tpu.memory_space<hbm>>
        tpu.enqueue_dma source(%dma_start3A_192 : memref<128xi32, #tpu.memory_space<hbm>>) target(%arg8 : memref<128xi32, #tpu.memory_space<vmem>>) target_semaphore(%run_scoped3A : memref<!tpu.dma_semaphore, #tpu.memory_space<semaphore_mem>>)
        %dma_wait3A_193 = arith.constant 0 : i32
        %dma_wait3A_194 = tpu.memref_slice %arg5[%add3A, %dma_wait3A_193] : memref<4x128xi32, #tpu.memory_space<hbm>> -> memref<1x128xi32, #tpu.memory_space<hbm>>
        %dma_wait3A_195 = tpu.memref_squeeze %dma_wait3A_194 : memref<1x128xi32, #tpu.memory_space<hbm>> -> memref<128xi32, #tpu.memory_space<hbm>>
        %dma_wait3A_196 = arith.constant 0 : i32
        %dma_wait3A_197 = tpu.memref_slice %arg5[%add3A, %dma_wait3A_196] : memref<4x128xi32, #tpu.memory_space<hbm>> -> memref<1x128xi32, #tpu.memory_space<hbm>>
        %dma_wait3A_198 = tpu.memref_squeeze %dma_wait3A_197 : memref<1x128xi32, #tpu.memory_space<hbm>> -> memref<128xi32, #tpu.memory_space<hbm>>
        tpu.wait_dma2 semaphore(%run_scoped3A : memref<!tpu.dma_semaphore, #tpu.memory_space<semaphore_mem>>) src(%dma_wait3A_198 : memref<128xi32, #tpu.memory_space<hbm>>) dst(%arg8 : memref<128xi32, #tpu.memory_space<vmem>>)
        tpu.yield
      }) : () -> ()
      %get3A_93 = arith.constant 0 : index
      %get3A_94 = tpu.vector_load %arg8[%get3A_93] {strides = array<i32>} : memref<128xi32, #tpu.memory_space<vmem>>, vector<16xi32>,
      %get3A_95 = vector.shape_cast %get3A_94 : vector<16xi32> to vector<16xi32>
      %mul3A_96 = arith.constant 8 : i32
      %mul3A_97 = arith.muli %add3A, %mul3A_96 : i32
      %add3A_98 = vector.broadcast %mul3A_97 : i32 to vector<16xi32>
      %add3A_99 = arith.addi %get3A_95, %add3A_98 : vector<16xi32>
      %swap3A_100 = arith.constant 0 : index
      %swap3A_101 = tpu.vector_load %arg8[%swap3A_100] {strides = array<i32>} : memref<128xi32, #tpu.memory_space<vmem>>, vector<16xi32>,
      %swap3A_102 = vector.shape_cast %swap3A_101 : vector<16xi32> to vector<16xi32>
      %swap3A_103 = vector.shape_cast %add3A_99 : vector<16xi32> to vector<16xi32>
      tpu.vector_store %arg8[%swap3A_100], %swap3A_103 {strides = array<i32>} : memref<128xi32, #tpu.memory_space<vmem>>, vector<16xi32>,
      %get3A_104 = arith.constant 16 : index
      %get3A_105 = tpu.vector_load %arg8[%get3A_104] {strides = array<i32>} : memref<128xi32, #tpu.memory_space<vmem>>, vector<16xi32>,
      %get3A_106 = vector.shape_cast %get3A_105 : vector<16xi32> to vector<16xi32>
      %mul3A_107 = arith.constant 8 : i32
      %mul3A_108 = arith.muli %add3A, %mul3A_107 : i32
      %add3A_109 = vector.broadcast %mul3A_108 : i32 to vector<16xi32>
      %add3A_110 = arith.addi %get3A_106, %add3A_109 : vector<16xi32>
      %swap3A_111 = arith.constant 16 : index
      %swap3A_112 = tpu.vector_load %arg8[%swap3A_111] {strides = array<i32>} : memref<128xi32, #tpu.memory_space<vmem>>, vector<16xi32>,
      %swap3A_113 = vector.shape_cast %swap3A_112 : vector<16xi32> to vector<16xi32>
      %swap3A_114 = vector.shape_cast %add3A_110 : vector<16xi32> to vector<16xi32>
      tpu.vector_store %arg8[%swap3A_111], %swap3A_114 {strides = array<i32>} : memref<128xi32, #tpu.memory_space<vmem>>, vector<16xi32>,
      %get3A_115 = arith.constant 32 : index
      %get3A_116 = tpu.vector_load %arg8[%get3A_115] {strides = array<i32>} : memref<128xi32, #tpu.memory_space<vmem>>, vector<16xi32>,
      %get3A_117 = vector.shape_cast %get3A_116 : vector<16xi32> to vector<16xi32>
      %mul3A_118 = arith.constant 8 : i32
      %mul3A_119 = arith.muli %add3A, %mul3A_118 : i32
      %add3A_120 = vector.broadcast %mul3A_119 : i32 to vector<16xi32>
      %add3A_121 = arith.addi %get3A_117, %add3A_120 : vector<16xi32>
      %swap3A_122 = arith.constant 32 : index
      %swap3A_123 = tpu.vector_load %arg8[%swap3A_122] {strides = array<i32>} : memref<128xi32, #tpu.memory_space<vmem>>, vector<16xi32>,
      %swap3A_124 = vector.shape_cast %swap3A_123 : vector<16xi32> to vector<16xi32>
      %swap3A_125 = vector.shape_cast %add3A_121 : vector<16xi32> to vector<16xi32>
      tpu.vector_store %arg8[%swap3A_122], %swap3A_125 {strides = array<i32>} : memref<128xi32, #tpu.memory_space<vmem>>, vector<16xi32>,
      %get3A_126 = arith.constant 48 : index
      %get3A_127 = tpu.vector_load %arg8[%get3A_126] {strides = array<i32>} : memref<128xi32, #tpu.memory_space<vmem>>, vector<16xi32>,
      %get3A_128 = vector.shape_cast %get3A_127 : vector<16xi32> to vector<16xi32>
      %mul3A_129 = arith.constant 8 : i32
      %mul3A_130 = arith.muli %add3A, %mul3A_129 : i32
      %add3A_131 = vector.broadcast %mul3A_130 : i32 to vector<16xi32>
      %add3A_132 = arith.addi %get3A_128, %add3A_131 : vector<16xi32>
      %swap3A_133 = arith.constant 48 : index
      %swap3A_134 = tpu.vector_load %arg8[%swap3A_133] {strides = array<i32>} : memref<128xi32, #tpu.memory_space<vmem>>, vector<16xi32>,
      %swap3A_135 = vector.shape_cast %swap3A_134 : vector<16xi32> to vector<16xi32>
      %swap3A_136 = vector.shape_cast %add3A_132 : vector<16xi32> to vector<16xi32>
      tpu.vector_store %arg8[%swap3A_133], %swap3A_136 {strides = array<i32>} : memref<128xi32, #tpu.memory_space<vmem>>, vector<16xi32>,
      %get3A_137 = arith.constant 64 : index
      %get3A_138 = tpu.vector_load %arg8[%get3A_137] {strides = array<i32>} : memref<128xi32, #tpu.memory_space<vmem>>, vector<16xi32>,
      %get3A_139 = vector.shape_cast %get3A_138 : vector<16xi32> to vector<16xi32>
      %mul3A_140 = arith.constant 8 : i32
      %mul3A_141 = arith.muli %add3A, %mul3A_140 : i32
      %add3A_142 = vector.broadcast %mul3A_141 : i32 to vector<16xi32>
      %add3A_143 = arith.addi %get3A_139, %add3A_142 : vector<16xi32>
      %swap3A_144 = arith.constant 64 : index
      %swap3A_145 = tpu.vector_load %arg8[%swap3A_144] {strides = array<i32>} : memref<128xi32, #tpu.memory_space<vmem>>, vector<16xi32>,
      %swap3A_146 = vector.shape_cast %swap3A_145 : vector<16xi32> to vector<16xi32>
      %swap3A_147 = vector.shape_cast %add3A_143 : vector<16xi32> to vector<16xi32>
      tpu.vector_store %arg8[%swap3A_144], %swap3A_147 {strides = array<i32>} : memref<128xi32, #tpu.memory_space<vmem>>, vector<16xi32>,
      %get3A_148 = arith.constant 80 : index
      %get3A_149 = tpu.vector_load %arg8[%get3A_148] {strides = array<i32>} : memref<128xi32, #tpu.memory_space<vmem>>, vector<16xi32>,
      %get3A_150 = vector.shape_cast %get3A_149 : vector<16xi32> to vector<16xi32>
      %mul3A_151 = arith.constant 8 : i32
      %mul3A_152 = arith.muli %add3A, %mul3A_151 : i32
      %add3A_153 = vector.broadcast %mul3A_152 : i32 to vector<16xi32>
      %add3A_154 = arith.addi %get3A_150, %add3A_153 : vector<16xi32>
      %swap3A_155 = arith.constant 80 : index
      %swap3A_156 = tpu.vector_load %arg8[%swap3A_155] {strides = array<i32>} : memref<128xi32, #tpu.memory_space<vmem>>, vector<16xi32>,
      %swap3A_157 = vector.shape_cast %swap3A_156 : vector<16xi32> to vector<16xi32>
      %swap3A_158 = vector.shape_cast %add3A_154 : vector<16xi32> to vector<16xi32>
      tpu.vector_store %arg8[%swap3A_155], %swap3A_158 {strides = array<i32>} : memref<128xi32, #tpu.memory_space<vmem>>, vector<16xi32>,
      %get3A_159 = arith.constant 96 : index
      %get3A_160 = tpu.vector_load %arg8[%get3A_159] {strides = array<i32>} : memref<128xi32, #tpu.memory_space<vmem>>, vector<16xi32>,
      %get3A_161 = vector.shape_cast %get3A_160 : vector<16xi32> to vector<16xi32>
      %mul3A_162 = arith.constant 8 : i32
      %mul3A_163 = arith.muli %add3A, %mul3A_162 : i32
      %add3A_164 = vector.broadcast %mul3A_163 : i32 to vector<16xi32>
      %add3A_165 = arith.addi %get3A_161, %add3A_164 : vector<16xi32>
      %swap3A_166 = arith.constant 96 : index
      %swap3A_167 = tpu.vector_load %arg8[%swap3A_166] {strides = array<i32>} : memref<128xi32, #tpu.memory_space<vmem>>, vector<16xi32>,
      %swap3A_168 = vector.shape_cast %swap3A_167 : vector<16xi32> to vector<16xi32>
      %swap3A_169 = vector.shape_cast %add3A_165 : vector<16xi32> to vector<16xi32>
      tpu.vector_store %arg8[%swap3A_166], %swap3A_169 {strides = array<i32>} : memref<128xi32, #tpu.memory_space<vmem>>, vector<16xi32>,
      %get3A_170 = arith.constant 112 : index
      %get3A_171 = tpu.vector_load %arg8[%get3A_170] {strides = array<i32>} : memref<128xi32, #tpu.memory_space<vmem>>, vector<16xi32>,
      %get3A_172 = vector.shape_cast %get3A_171 : vector<16xi32> to vector<16xi32>
      %mul3A_173 = arith.constant 8 : i32
      %mul3A_174 = arith.muli %add3A, %mul3A_173 : i32
      %add3A_175 = vector.broadcast %mul3A_174 : i32 to vector<16xi32>
      %add3A_176 = arith.addi %get3A_172, %add3A_175 : vector<16xi32>
      %swap3A_177 = arith.constant 112 : index
      %swap3A_178 = tpu.vector_load %arg8[%swap3A_177] {strides = array<i32>} : memref<128xi32, #tpu.memory_space<vmem>>, vector<16xi32>,
      %swap3A_179 = vector.shape_cast %swap3A_178 : vector<16xi32> to vector<16xi32>
      %swap3A_180 = vector.shape_cast %add3A_176 : vector<16xi32> to vector<16xi32>
      tpu.vector_store %arg8[%swap3A_177], %swap3A_180 {strides = array<i32>} : memref<128xi32, #tpu.memory_space<vmem>>, vector<16xi32>,
      %dma_start3A_181 = arith.constant 0 : i32
      %dma_start3A_182 = arith.constant 0 : i32
      %dma_start3A_183 = tpu.memref_slice %arg3[%dma_start3A_181, %dma_start3A_182] : memref<32x128xf32, #tpu.memory_space<hbm>> -> memref<32x128xf32, #tpu.memory_space<hbm>>
      tpu.enqueue_indirect_dma source(%dma_start3A_183 : memref<32x128xf32, #tpu.memory_space<hbm>>) target(%arg10 : memref<128x128xf32, #tpu.memory_space<vmem>>) offsets(%arg8 : memref<128xi32, #tpu.memory_space<vmem>>) semaphore(%arg11 : memref<!tpu.dma_semaphore, #tpu.memory_space<semaphore_mem>>)
      %dma_wait3A_184 = arith.constant 0 : i32
      %dma_wait3A_185 = arith.constant 0 : i32
      %dma_wait3A_186 = tpu.memref_slice %arg3[%dma_wait3A_184, %dma_wait3A_185] : memref<32x128xf32, #tpu.memory_space<hbm>> -> memref<32x128xf32, #tpu.memory_space<hbm>>
      tpu.wait_indirect_dma semaphore(%arg11 : memref<!tpu.dma_semaphore, #tpu.memory_space<semaphore_mem>>) src(%dma_wait3A_186 : memref<32x128xf32, #tpu.memory_space<hbm>>) dst(%arg10 : memref<128x128xf32, #tpu.memory_space<vmem>>)
      "tpu.region"() ({
        %run_scoped3A = tpu.sem_alloc : memref<!tpu.dma_semaphore, #tpu.memory_space<semaphore_mem>>
        %dma_start3A_187 = arith.constant 0 : i32
        %dma_start3A_188 = arith.constant 0 : i32
        %dma_start3A_189 = tpu.memref_slice %arg7[%add3A, %dma_start3A_187, %dma_start3A_188] : memref<4x128x128xf32, #tpu.memory_space<hbm>> -> memref<1x128x128xf32, #tpu.memory_space<hbm>>
        %dma_start3A_190 = tpu.memref_squeeze %dma_start3A_189 : memref<1x128x128xf32, #tpu.memory_space<hbm>> -> memref<128x128xf32, #tpu.memory_space<hbm>>
        %dma_start3A_191 = arith.constant 0 : i32
        %dma_start3A_192 = arith.constant 0 : i32
        %dma_start3A_193 = tpu.memref_slice %arg7[%add3A, %dma_start3A_191, %dma_start3A_192] : memref<4x128x128xf32, #tpu.memory_space<hbm>> -> memref<1x128x128xf32, #tpu.memory_space<hbm>>
        %dma_start3A_194 = tpu.memref_squeeze %dma_start3A_193 : memref<1x128x128xf32, #tpu.memory_space<hbm>> -> memref<128x128xf32, #tpu.memory_space<hbm>>
        tpu.enqueue_dma source(%arg10 : memref<128x128xf32, #tpu.memory_space<vmem>>) target(%dma_start3A_194 : memref<128x128xf32, #tpu.memory_space<hbm>>) target_semaphore(%run_scoped3A : memref<!tpu.dma_semaphore, #tpu.memory_space<semaphore_mem>>)
        %dma_wait3A_195 = arith.constant 0 : i32
        %dma_wait3A_196 = arith.constant 0 : i32
        %dma_wait3A_197 = tpu.memref_slice %arg7[%add3A, %dma_wait3A_195, %dma_wait3A_196] : memref<4x128x128xf32, #tpu.memory_space<hbm>> -> memref<1x128x128xf32, #tpu.memory_space<hbm>>
        %dma_wait3A_198 = tpu.memref_squeeze %dma_wait3A_197 : memref<1x128x128xf32, #tpu.memory_space<hbm>> -> memref<128x128xf32, #tpu.memory_space<hbm>>
        %dma_wait3A_199 = arith.constant 0 : i32
        %dma_wait3A_200 = arith.constant 0 : i32
        %dma_wait3A_201 = tpu.memref_slice %arg7[%add3A, %dma_wait3A_199, %dma_wait3A_200] : memref<4x128x128xf32, #tpu.memory_space<hbm>> -> memref<1x128x128xf32, #tpu.memory_space<hbm>>
        %dma_wait3A_202 = tpu.memref_squeeze %dma_wait3A_201 : memref<1x128x128xf32, #tpu.memory_space<hbm>> -> memref<128x128xf32, #tpu.memory_space<hbm>>
        tpu.wait_dma2 semaphore(%run_scoped3A : memref<!tpu.dma_semaphore, #tpu.memory_space<semaphore_mem>>) src(%arg10 : memref<128x128xf32, #tpu.memory_space<vmem>>) dst(%dma_wait3A_202 : memref<128x128xf32, #tpu.memory_space<hbm>>)
        tpu.yield
      }) : () -> ()
    } else {
    }
    return
  }
}

module attributes {stable_mosaic.version = 14 : i64} {
  func.func @_kernel_a(%arg0: i32, %arg1: memref<1x5008x7xf32, #tpu.memory_space<vmem>>, %arg2: memref<1x8x16xf32, #tpu.memory_space<vmem>>, %arg3: memref<1x8x16xf32, #tpu.memory_space<vmem>>, %arg4: memref<1x8x16xf32, #tpu.memory_space<vmem>>, %arg5: memref<1x8x16xf32, #tpu.memory_space<vmem>>, %arg6: memref<1x8x16xf32, #tpu.memory_space<vmem>>, %arg7: memref<1x5008x128xf32, #tpu.memory_space<vmem>>, %arg8: memref<1x8x128xf32, #tpu.memory_space<vmem>>, %arg9: memref<1x128x1xf32, #tpu.memory_space<vmem>>, %arg10: memref<1x128x1xf32, #tpu.memory_space<vmem>>, %arg11: memref<1x128x1xf32, #tpu.memory_space<vmem>>, %arg12: memref<1x1x16xf32, #tpu.memory_space<vmem>>) attributes {dimension_semantics = [#tpu.dimension_semantics<arbitrary>], iteration_bounds = array<i64: 4>, scalar_prefetch = 0 : i64, scratch_operands = 0 : i64, tpu.core_type = #tpu.core_type<tc>, window_params = [{transform_indices = @transform_0, window_bounds = array<i64: 1, 5008, 7>}, {transform_indices = @transform_1, window_bounds = array<i64: 1, 8, 16>}, {transform_indices = @transform_2, window_bounds = array<i64: 1, 8, 16>}, {transform_indices = @transform_3, window_bounds = array<i64: 1, 8, 16>}, {transform_indices = @transform_4, window_bounds = array<i64: 1, 8, 16>}, {transform_indices = @transform_5, window_bounds = array<i64: 1, 8, 16>}, {transform_indices = @transform_6, window_bounds = array<i64: 1, 5008, 128>}, {transform_indices = @transform_7, window_bounds = array<i64: 1, 8, 128>}, {transform_indices = @transform_8, window_bounds = array<i64: 1, 128, 1>}, {transform_indices = @transform_9, window_bounds = array<i64: 1, 128, 1>}, {transform_indices = @transform_10, window_bounds = array<i64: 1, 128, 1>}, {transform_indices = @transform_11, window_bounds = array<i64: 1, 1, 16>}]} {
    %get3A = arith.constant 0 : index
    %get3A_0 = arith.constant 0 : index
    %get3A_1 = arith.constant 0 : index
    %get3A_2 = vector.load %arg1[%get3A, %get3A_0, %get3A_1] : memref<1x5008x7xf32, #tpu.memory_space<vmem>>, vector<1x5008x7xf32>
    %get3A_3 = vector.shape_cast %get3A_2 : vector<1x5008x7xf32> to vector<5008x7xf32>
    %get3A_4 = arith.constant 0 : index
    %get3A_5 = arith.constant 0 : index
    %get3A_6 = arith.constant 0 : index
    %get3A_7 = vector.load %arg2[%get3A_4, %get3A_5, %get3A_6] : memref<1x8x16xf32, #tpu.memory_space<vmem>>, vector<1x8x16xf32>
    %get3A_8 = vector.shape_cast %get3A_7 : vector<1x8x16xf32> to vector<8x16xf32>
    %get3A_9 = arith.constant 0 : index
    %get3A_10 = arith.constant 0 : index
    %get3A_11 = arith.constant 0 : index
    %get3A_12 = vector.load %arg3[%get3A_9, %get3A_10, %get3A_11] : memref<1x8x16xf32, #tpu.memory_space<vmem>>, vector<1x8x16xf32>
    %get3A_13 = vector.shape_cast %get3A_12 : vector<1x8x16xf32> to vector<8x16xf32>
    %get3A_14 = arith.constant 0 : index
    %get3A_15 = arith.constant 0 : index
    %get3A_16 = arith.constant 0 : index
    %get3A_17 = vector.load %arg4[%get3A_14, %get3A_15, %get3A_16] : memref<1x8x16xf32, #tpu.memory_space<vmem>>, vector<1x8x16xf32>
    %get3A_18 = vector.shape_cast %get3A_17 : vector<1x8x16xf32> to vector<8x16xf32>
    %get3A_19 = arith.constant 0 : index
    %get3A_20 = arith.constant 0 : index
    %get3A_21 = arith.constant 0 : index
    %get3A_22 = vector.load %arg5[%get3A_19, %get3A_20, %get3A_21] : memref<1x8x16xf32, #tpu.memory_space<vmem>>, vector<1x8x16xf32>
    %get3A_23 = vector.shape_cast %get3A_22 : vector<1x8x16xf32> to vector<8x16xf32>
    %get3A_24 = arith.constant 0 : index
    %get3A_25 = arith.constant 0 : index
    %get3A_26 = arith.constant 0 : index
    %get3A_27 = vector.load %arg6[%get3A_24, %get3A_25, %get3A_26] : memref<1x8x16xf32, #tpu.memory_space<vmem>>, vector<1x8x16xf32>
    %get3A_28 = vector.shape_cast %get3A_27 : vector<1x8x16xf32> to vector<8x16xf32>
    %slice3A = vector.extract_strided_slice %get3A_3 {offsets = [0, 1], sizes = [5000, 1], strides = [1, 1]} : vector<5008x7xf32> to vector<5000x1xf32>
    %slice3A_29 = vector.extract_strided_slice %get3A_3 {offsets = [0, 2], sizes = [5000, 1], strides = [1, 1]} : vector<5008x7xf32> to vector<5000x1xf32>
    %slice3A_30 = vector.extract_strided_slice %get3A_3 {offsets = [0, 3], sizes = [5000, 1], strides = [1, 1]} : vector<5008x7xf32> to vector<5000x1xf32>
    %round3A = math.roundeven %slice3A_30 : vector<5000x1xf32>
    %slice3A_31 = vector.extract_strided_slice %get3A_3 {offsets = [0, 4], sizes = [5000, 1], strides = [1, 1]} : vector<5008x7xf32> to vector<5000x1xf32>
    %slice3A_32 = vector.extract_strided_slice %get3A_3 {offsets = [0, 5], sizes = [5000, 1], strides = [1, 1]} : vector<5008x7xf32> to vector<5000x1xf32>
    %slice3A_33 = vector.extract_strided_slice %get3A_3 {offsets = [0, 6], sizes = [5000, 1], strides = [1, 1]} : vector<5008x7xf32> to vector<5000x1xf32>
    %round3A_34 = math.roundeven %slice3A_33 : vector<5000x1xf32>
    %iota3A = tpu.iota {dimensions = array<i32: 1>} : vector<5000x16xi32>
    %convert_element_type3A = arith.sitofp %iota3A : vector<5000x16xi32> to vector<5000x16xf32>
    %ge3A = vector.broadcast %round3A : vector<5000x1xf32> to vector<5000x16xf32>
    %ge3A_35 = arith.cmpf oge, %convert_element_type3A, %ge3A : vector<5000x16xf32>
    %le3A = vector.broadcast %round3A_34 : vector<5000x1xf32> to vector<5000x16xf32>
    %le3A_36 = arith.cmpf ole, %convert_element_type3A, %le3A : vector<5000x16xf32>
    %and3A = arith.andi %ge3A_35, %le3A_36 : vector<5000x16xi1>
    %convert_element_type3A_37 = arith.extui %and3A : vector<5000x16xi1> to vector<5000x16xi32>
    %convert_element_type3A_38 = arith.sitofp %convert_element_type3A_37 : vector<5000x16xi32> to vector<5000x16xf32>
    %mul3A = vector.broadcast %slice3A : vector<5000x1xf32> to vector<5000x16xf32>
    %mul3A_39 = arith.mulf %convert_element_type3A_38, %mul3A : vector<5000x16xf32>
    %concatenate3A = tpu.concatenate %mul3A_39, %get3A_8 in 0 : vector<5000x16xf32>, vector<8x16xf32> -> vector<5008x16xf32>
    %mul3A_40 = vector.broadcast %slice3A_29 : vector<5000x1xf32> to vector<5000x16xf32>
    %mul3A_41 = arith.mulf %convert_element_type3A_38, %mul3A_40 : vector<5000x16xf32>
    %concatenate3A_42 = tpu.concatenate %mul3A_41, %get3A_13 in 0 : vector<5000x16xf32>, vector<8x16xf32> -> vector<5008x16xf32>
    %mul3A_43 = vector.broadcast %slice3A_31 : vector<5000x1xf32> to vector<5000x16xf32>
    %mul3A_44 = arith.mulf %convert_element_type3A_38, %mul3A_43 : vector<5000x16xf32>
    %concatenate3A_45 = tpu.concatenate %mul3A_44, %get3A_18 in 0 : vector<5000x16xf32>, vector<8x16xf32> -> vector<5008x16xf32>
    %mul3A_46 = vector.broadcast %slice3A_32 : vector<5000x1xf32> to vector<5000x16xf32>
    %mul3A_47 = arith.mulf %convert_element_type3A_38, %mul3A_46 : vector<5000x16xf32>
    %concatenate3A_48 = tpu.concatenate %mul3A_47, %get3A_23 in 0 : vector<5000x16xf32>, vector<8x16xf32> -> vector<5008x16xf32>
    %broadcast_in_dim3A = arith.constant 0.000000e+00 : f32
    %broadcast_in_dim3A_49 = vector.broadcast %broadcast_in_dim3A : f32 to vector<5008x57xf32>
    %concatenate3A_50 = tpu.concatenate %concatenate3A, %concatenate3A_42, %concatenate3A_45, %concatenate3A_48, %get3A_3, %broadcast_in_dim3A_49 in 1 : vector<5008x16xf32>, vector<5008x16xf32>, vector<5008x16xf32>, vector<5008x16xf32>, vector<5008x7xf32>, vector<5008x57xf32> -> vector<5008x128xf32>
    %swap3A = arith.constant 0 : index
    %swap3A_51 = arith.constant 0 : index
    %swap3A_52 = arith.constant 0 : index
    %swap3A_53 = vector.load %arg7[%swap3A, %swap3A_51, %swap3A_52] : memref<1x5008x128xf32, #tpu.memory_space<vmem>>, vector<1x5008x128xf32>
    %swap3A_54 = vector.shape_cast %swap3A_53 : vector<1x5008x128xf32> to vector<5008x128xf32>
    %swap3A_55 = vector.shape_cast %concatenate3A_50 : vector<5008x128xf32> to vector<1x5008x128xf32>
    tpu.vector_store %arg7[%swap3A, %swap3A_51, %swap3A_52], %swap3A_55 {strides = array<i32>} : memref<1x5008x128xf32, #tpu.memory_space<vmem>>, vector<1x5008x128xf32>,
    %abs3A = math.absf %concatenate3A : vector<5008x16xf32>
    %abs3A_56 = math.absf %concatenate3A_42 : vector<5008x16xf32>
    %add3A = arith.addf %abs3A, %abs3A_56 : vector<5008x16xf32>
    %abs3A_57 = math.absf %concatenate3A_45 : vector<5008x16xf32>
    %add3A_58 = arith.addf %add3A, %abs3A_57 : vector<5008x16xf32>
    %abs3A_59 = math.absf %concatenate3A_48 : vector<5008x16xf32>
    %add3A_60 = arith.addf %add3A_58, %abs3A_59 : vector<5008x16xf32>
    %eq3A = arith.constant 0.000000e+00 : f32
    %eq3A_61 = vector.broadcast %eq3A : f32 to vector<5008x16xf32>
    %eq3A_62 = arith.cmpf oeq, %add3A_60, %eq3A_61 : vector<5008x16xf32>
    %abs3A_63 = math.absf %get3A_8 : vector<8x16xf32>
    %abs3A_64 = math.absf %get3A_13 : vector<8x16xf32>
    %add3A_65 = arith.addf %abs3A_63, %abs3A_64 : vector<8x16xf32>
    %abs3A_66 = math.absf %get3A_18 : vector<8x16xf32>
    %add3A_67 = arith.addf %add3A_65, %abs3A_66 : vector<8x16xf32>
    %abs3A_68 = math.absf %get3A_23 : vector<8x16xf32>
    %add3A_69 = arith.addf %add3A_67, %abs3A_68 : vector<8x16xf32>
    %eq3A_70 = arith.constant 0.000000e+00 : f32
    %eq3A_71 = vector.broadcast %eq3A_70 : f32 to vector<8x16xf32>
    %eq3A_72 = arith.cmpf oeq, %add3A_69, %eq3A_71 : vector<8x16xf32>
    %sub3A = arith.subf %concatenate3A_45, %concatenate3A : vector<5008x16xf32>
    %add3A_73 = arith.constant 1.000000e+00 : f32
    %add3A_74 = vector.broadcast %add3A_73 : f32 to vector<5008x16xf32>
    %add3A_75 = arith.addf %sub3A, %add3A_74 : vector<5008x16xf32>
    %sub3A_76 = arith.subf %concatenate3A_48, %concatenate3A_42 : vector<5008x16xf32>
    %add3A_77 = arith.constant 1.000000e+00 : f32
    %add3A_78 = vector.broadcast %add3A_77 : f32 to vector<5008x16xf32>
    %add3A_79 = arith.addf %sub3A_76, %add3A_78 : vector<5008x16xf32>
    %mul3A_80 = arith.mulf %add3A_75, %add3A_79 : vector<5008x16xf32>
    %sub3A_81 = arith.subf %get3A_18, %get3A_8 : vector<8x16xf32>
    %add3A_82 = arith.constant 1.000000e+00 : f32
    %add3A_83 = vector.broadcast %add3A_82 : f32 to vector<8x16xf32>
    %add3A_84 = arith.addf %sub3A_81, %add3A_83 : vector<8x16xf32>
    %sub3A_85 = arith.subf %get3A_23, %get3A_13 : vector<8x16xf32>
    %add3A_86 = arith.constant 1.000000e+00 : f32
    %add3A_87 = vector.broadcast %add3A_86 : f32 to vector<8x16xf32>
    %add3A_88 = arith.addf %sub3A_85, %add3A_87 : vector<8x16xf32>
    %mul3A_89 = arith.mulf %add3A_84, %add3A_88 : vector<8x16xf32>
    %slice3A_90 = vector.extract_strided_slice %get3A_18 {offsets = [0, 0], sizes = [1, 16], strides = [1, 1]} : vector<8x16xf32> to vector<1x16xf32>
    %min3A = vector.broadcast %slice3A_90 : vector<1x16xf32> to vector<5008x16xf32>
    %min3A_91 = arith.minimumf %concatenate3A_45, %min3A : vector<5008x16xf32>
    %slice3A_92 = vector.extract_strided_slice %get3A_8 {offsets = [0, 0], sizes = [1, 16], strides = [1, 1]} : vector<8x16xf32> to vector<1x16xf32>
    %max3A = vector.broadcast %slice3A_92 : vector<1x16xf32> to vector<5008x16xf32>
    %max3A_93 = arith.maximumf %concatenate3A, %max3A : vector<5008x16xf32>
    %sub3A_94 = arith.subf %min3A_91, %max3A_93 : vector<5008x16xf32>
    %add3A_95 = arith.constant 1.000000e+00 : f32
    %add3A_96 = vector.broadcast %add3A_95 : f32 to vector<5008x16xf32>
    %add3A_97 = arith.addf %sub3A_94, %add3A_96 : vector<5008x16xf32>
    %jit3A = arith.constant 0.000000e+00 : f32
    %max3A_98 = vector.broadcast %jit3A : f32 to vector<5008x16xf32>
    %max3A_99 = arith.maximumf %max3A_98, %add3A_97 : vector<5008x16xf32>
    %slice3A_100 = vector.extract_strided_slice %get3A_23 {offsets = [0, 0], sizes = [1, 16], strides = [1, 1]} : vector<8x16xf32> to vector<1x16xf32>
    %min3A_101 = vector.broadcast %slice3A_100 : vector<1x16xf32> to vector<5008x16xf32>
    %min3A_102 = arith.minimumf %concatenate3A_48, %min3A_101 : vector<5008x16xf32>
    %slice3A_103 = vector.extract_strided_slice %get3A_13 {offsets = [0, 0], sizes = [1, 16], strides = [1, 1]} : vector<8x16xf32> to vector<1x16xf32>
    %max3A_104 = vector.broadcast %slice3A_103 : vector<1x16xf32> to vector<5008x16xf32>
    %max3A_105 = arith.maximumf %concatenate3A_42, %max3A_104 : vector<5008x16xf32>
    %sub3A_106 = arith.subf %min3A_102, %max3A_105 : vector<5008x16xf32>
    %add3A_107 = arith.constant 1.000000e+00 : f32
    %add3A_108 = vector.broadcast %add3A_107 : f32 to vector<5008x16xf32>
    %add3A_109 = arith.addf %sub3A_106, %add3A_108 : vector<5008x16xf32>
    %jit3A_110 = arith.constant 0.000000e+00 : f32
    %max3A_111 = vector.broadcast %jit3A_110 : f32 to vector<5008x16xf32>
    %max3A_112 = arith.maximumf %max3A_111, %add3A_109 : vector<5008x16xf32>
    %mul3A_113 = arith.mulf %max3A_99, %max3A_112 : vector<5008x16xf32>
    %slice3A_114 = vector.extract_strided_slice %mul3A_89 {offsets = [0, 0], sizes = [1, 16], strides = [1, 1]} : vector<8x16xf32> to vector<1x16xf32>
    %add3A_115 = vector.broadcast %slice3A_114 : vector<1x16xf32> to vector<5008x16xf32>
    %add3A_116 = arith.addf %mul3A_80, %add3A_115 : vector<5008x16xf32>
    %sub3A_117 = arith.subf %add3A_116, %mul3A_113 : vector<5008x16xf32>
    %max3A_118 = arith.constant 9.99999997E-7 : f32
    %max3A_119 = vector.broadcast %max3A_118 : f32 to vector<5008x16xf32>
    %max3A_120 = arith.maximumf %sub3A_117, %max3A_119 : vector<5008x16xf32>
    %slice3A_121 = vector.extract_strided_slice %eq3A_72 {offsets = [0, 0], sizes = [1, 16], strides = [1, 1]} : vector<8x16xi1> to vector<1x16xi1>
    %or3A = vector.broadcast %slice3A_121 : vector<1x16xi1> to vector<5008x16xi1>
    %or3A_122 = arith.ori %eq3A_62, %or3A : vector<5008x16xi1>
    %div3A = arith.divf %mul3A_113, %max3A_120 : vector<5008x16xf32>
    %jit3A_123 = arith.constant 0.000000e+00 : f32
    %broadcast_in_dim3A_124 = vector.broadcast %jit3A_123 : f32 to vector<5008x16xf32>
    %select_n3A = arith.select %or3A_122, %broadcast_in_dim3A_124, %div3A : vector<5008x16xi1>, vector<5008x16xf32>
    %slice3A_125 = vector.extract_strided_slice %eq3A_72 {offsets = [0, 0], sizes = [1, 16], strides = [1, 1]} : vector<8x16xi1> to vector<1x16xi1>
    %and3A_126 = vector.broadcast %slice3A_125 : vector<1x16xi1> to vector<5008x16xi1>
    %and3A_127 = arith.andi %eq3A_62, %and3A_126 : vector<5008x16xi1>
    %not3A = arith.constant dense<true> : vector<5008x16xi1>
    %not3A_128 = arith.xori %and3A_127, %not3A : vector<5008x16xi1>
    %convert_element_type3A_129 = arith.extui %not3A_128 : vector<5008x16xi1> to vector<5008x16xi32>
    %convert_element_type3A_130 = arith.sitofp %convert_element_type3A_129 : vector<5008x16xi32> to vector<5008x16xf32>
    %reduce_sum3A = arith.constant dense<0.000000e+00> : vector<5008xf32>
    %reduce_sum3A_131 = vector.multi_reduction <add>, %convert_element_type3A_130, %reduce_sum3A [1] : vector<5008x16xf32> to vector<5008xf32>
    %broadcast_in_dim3A_132 = vector.shape_cast %reduce_sum3A_131 : vector<5008xf32> to vector<5008x1xf32>
    %max3A_133 = arith.constant 1.000000e+00 : f32
    %max3A_134 = vector.broadcast %max3A_133 : f32 to vector<5008x1xf32>
    %max3A_135 = arith.maximumf %broadcast_in_dim3A_132, %max3A_134 : vector<5008x1xf32>
    %reduce_sum3A_136 = arith.constant dense<0.000000e+00> : vector<5008xf32>
    %reduce_sum3A_137 = vector.multi_reduction <add>, %select_n3A, %reduce_sum3A_136 [1] : vector<5008x16xf32> to vector<5008xf32>
    %broadcast_in_dim3A_138 = vector.shape_cast %reduce_sum3A_137 : vector<5008xf32> to vector<5008x1xf32>
    %div3A_139 = arith.divf %broadcast_in_dim3A_138, %max3A_135 : vector<5008x1xf32>
    %slice3A_140 = vector.extract_strided_slice %get3A_18 {offsets = [1, 0], sizes = [1, 16], strides = [1, 1]} : vector<8x16xf32> to vector<1x16xf32>
    %min3A_141 = vector.broadcast %slice3A_140 : vector<1x16xf32> to vector<5008x16xf32>
    %min3A_142 = arith.minimumf %concatenate3A_45, %min3A_141 : vector<5008x16xf32>
    %slice3A_143 = vector.extract_strided_slice %get3A_8 {offsets = [1, 0], sizes = [1, 16], strides = [1, 1]} : vector<8x16xf32> to vector<1x16xf32>
    %max3A_144 = vector.broadcast %slice3A_143 : vector<1x16xf32> to vector<5008x16xf32>
    %max3A_145 = arith.maximumf %concatenate3A, %max3A_144 : vector<5008x16xf32>
    %sub3A_146 = arith.subf %min3A_142, %max3A_145 : vector<5008x16xf32>
    %add3A_147 = arith.constant 1.000000e+00 : f32
    %add3A_148 = vector.broadcast %add3A_147 : f32 to vector<5008x16xf32>
    %add3A_149 = arith.addf %sub3A_146, %add3A_148 : vector<5008x16xf32>
    %jit3A_150 = arith.constant 0.000000e+00 : f32
    %max3A_151 = vector.broadcast %jit3A_150 : f32 to vector<5008x16xf32>
    %max3A_152 = arith.maximumf %max3A_151, %add3A_149 : vector<5008x16xf32>
    %slice3A_153 = vector.extract_strided_slice %get3A_23 {offsets = [1, 0], sizes = [1, 16], strides = [1, 1]} : vector<8x16xf32> to vector<1x16xf32>
    %min3A_154 = vector.broadcast %slice3A_153 : vector<1x16xf32> to vector<5008x16xf32>
    %min3A_155 = arith.minimumf %concatenate3A_48, %min3A_154 : vector<5008x16xf32>
    %slice3A_156 = vector.extract_strided_slice %get3A_13 {offsets = [1, 0], sizes = [1, 16], strides = [1, 1]} : vector<8x16xf32> to vector<1x16xf32>
    %max3A_157 = vector.broadcast %slice3A_156 : vector<1x16xf32> to vector<5008x16xf32>
    %max3A_158 = arith.maximumf %concatenate3A_42, %max3A_157 : vector<5008x16xf32>
    %sub3A_159 = arith.subf %min3A_155, %max3A_158 : vector<5008x16xf32>
    %add3A_160 = arith.constant 1.000000e+00 : f32
    %add3A_161 = vector.broadcast %add3A_160 : f32 to vector<5008x16xf32>
    %add3A_162 = arith.addf %sub3A_159, %add3A_161 : vector<5008x16xf32>
    %jit3A_163 = arith.constant 0.000000e+00 : f32
    %max3A_164 = vector.broadcast %jit3A_163 : f32 to vector<5008x16xf32>
    %max3A_165 = arith.maximumf %max3A_164, %add3A_162 : vector<5008x16xf32>
    %mul3A_166 = arith.mulf %max3A_152, %max3A_165 : vector<5008x16xf32>
    %slice3A_167 = vector.extract_strided_slice %mul3A_89 {offsets = [1, 0], sizes = [1, 16], strides = [1, 1]} : vector<8x16xf32> to vector<1x16xf32>
    %add3A_168 = vector.broadcast %slice3A_167 : vector<1x16xf32> to vector<5008x16xf32>
    %add3A_169 = arith.addf %mul3A_80, %add3A_168 : vector<5008x16xf32>
    %sub3A_170 = arith.subf %add3A_169, %mul3A_166 : vector<5008x16xf32>
    %max3A_171 = arith.constant 9.99999997E-7 : f32
    %max3A_172 = vector.broadcast %max3A_171 : f32 to vector<5008x16xf32>
    %max3A_173 = arith.maximumf %sub3A_170, %max3A_172 : vector<5008x16xf32>
    %slice3A_174 = vector.extract_strided_slice %eq3A_72 {offsets = [1, 0], sizes = [1, 16], strides = [1, 1]} : vector<8x16xi1> to vector<1x16xi1>
    %or3A_175 = vector.broadcast %slice3A_174 : vector<1x16xi1> to vector<5008x16xi1>
    %or3A_176 = arith.ori %eq3A_62, %or3A_175 : vector<5008x16xi1>
    %div3A_177 = arith.divf %mul3A_166, %max3A_173 : vector<5008x16xf32>
    %jit3A_178 = arith.constant 0.000000e+00 : f32
    %broadcast_in_dim3A_179 = vector.broadcast %jit3A_178 : f32 to vector<5008x16xf32>
    %select_n3A_180 = arith.select %or3A_176, %broadcast_in_dim3A_179, %div3A_177 : vector<5008x16xi1>, vector<5008x16xf32>
    %slice3A_181 = vector.extract_strided_slice %eq3A_72 {offsets = [1, 0], sizes = [1, 16], strides = [1, 1]} : vector<8x16xi1> to vector<1x16xi1>
    %and3A_182 = vector.broadcast %slice3A_181 : vector<1x16xi1> to vector<5008x16xi1>
    %and3A_183 = arith.andi %eq3A_62, %and3A_182 : vector<5008x16xi1>
    %not3A_184 = arith.constant dense<true> : vector<5008x16xi1>
    %not3A_185 = arith.xori %and3A_183, %not3A_184 : vector<5008x16xi1>
    %convert_element_type3A_186 = arith.extui %not3A_185 : vector<5008x16xi1> to vector<5008x16xi32>
    %convert_element_type3A_187 = arith.sitofp %convert_element_type3A_186 : vector<5008x16xi32> to vector<5008x16xf32>
    %reduce_sum3A_188 = arith.constant dense<0.000000e+00> : vector<5008xf32>
    %reduce_sum3A_189 = vector.multi_reduction <add>, %convert_element_type3A_187, %reduce_sum3A_188 [1] : vector<5008x16xf32> to vector<5008xf32>
    %broadcast_in_dim3A_190 = vector.shape_cast %reduce_sum3A_189 : vector<5008xf32> to vector<5008x1xf32>
    %max3A_191 = arith.constant 1.000000e+00 : f32
    %max3A_192 = vector.broadcast %max3A_191 : f32 to vector<5008x1xf32>
    %max3A_193 = arith.maximumf %broadcast_in_dim3A_190, %max3A_192 : vector<5008x1xf32>
    %reduce_sum3A_194 = arith.constant dense<0.000000e+00> : vector<5008xf32>
    %reduce_sum3A_195 = vector.multi_reduction <add>, %select_n3A_180, %reduce_sum3A_194 [1] : vector<5008x16xf32> to vector<5008xf32>
    %broadcast_in_dim3A_196 = vector.shape_cast %reduce_sum3A_195 : vector<5008xf32> to vector<5008x1xf32>
    %div3A_197 = arith.divf %broadcast_in_dim3A_196, %max3A_193 : vector<5008x1xf32>
    %slice3A_198 = vector.extract_strided_slice %get3A_18 {offsets = [2, 0], sizes = [1, 16], strides = [1, 1]} : vector<8x16xf32> to vector<1x16xf32>
    %min3A_199 = vector.broadcast %slice3A_198 : vector<1x16xf32> to vector<5008x16xf32>
    %min3A_200 = arith.minimumf %concatenate3A_45, %min3A_199 : vector<5008x16xf32>
    %slice3A_201 = vector.extract_strided_slice %get3A_8 {offsets = [2, 0], sizes = [1, 16], strides = [1, 1]} : vector<8x16xf32> to vector<1x16xf32>
    %max3A_202 = vector.broadcast %slice3A_201 : vector<1x16xf32> to vector<5008x16xf32>
    %max3A_203 = arith.maximumf %concatenate3A, %max3A_202 : vector<5008x16xf32>
    %sub3A_204 = arith.subf %min3A_200, %max3A_203 : vector<5008x16xf32>
    %add3A_205 = arith.constant 1.000000e+00 : f32
    %add3A_206 = vector.broadcast %add3A_205 : f32 to vector<5008x16xf32>
    %add3A_207 = arith.addf %sub3A_204, %add3A_206 : vector<5008x16xf32>
    %jit3A_208 = arith.constant 0.000000e+00 : f32
    %max3A_209 = vector.broadcast %jit3A_208 : f32 to vector<5008x16xf32>
    %max3A_210 = arith.maximumf %max3A_209, %add3A_207 : vector<5008x16xf32>
    %slice3A_211 = vector.extract_strided_slice %get3A_23 {offsets = [2, 0], sizes = [1, 16], strides = [1, 1]} : vector<8x16xf32> to vector<1x16xf32>
    %min3A_212 = vector.broadcast %slice3A_211 : vector<1x16xf32> to vector<5008x16xf32>
    %min3A_213 = arith.minimumf %concatenate3A_48, %min3A_212 : vector<5008x16xf32>
    %slice3A_214 = vector.extract_strided_slice %get3A_13 {offsets = [2, 0], sizes = [1, 16], strides = [1, 1]} : vector<8x16xf32> to vector<1x16xf32>
    %max3A_215 = vector.broadcast %slice3A_214 : vector<1x16xf32> to vector<5008x16xf32>
    %max3A_216 = arith.maximumf %concatenate3A_42, %max3A_215 : vector<5008x16xf32>
    %sub3A_217 = arith.subf %min3A_213, %max3A_216 : vector<5008x16xf32>
    %add3A_218 = arith.constant 1.000000e+00 : f32
    %add3A_219 = vector.broadcast %add3A_218 : f32 to vector<5008x16xf32>
    %add3A_220 = arith.addf %sub3A_217, %add3A_219 : vector<5008x16xf32>
    %jit3A_221 = arith.constant 0.000000e+00 : f32
    %max3A_222 = vector.broadcast %jit3A_221 : f32 to vector<5008x16xf32>
    %max3A_223 = arith.maximumf %max3A_222, %add3A_220 : vector<5008x16xf32>
    %mul3A_224 = arith.mulf %max3A_210, %max3A_223 : vector<5008x16xf32>
    %slice3A_225 = vector.extract_strided_slice %mul3A_89 {offsets = [2, 0], sizes = [1, 16], strides = [1, 1]} : vector<8x16xf32> to vector<1x16xf32>
    %add3A_226 = vector.broadcast %slice3A_225 : vector<1x16xf32> to vector<5008x16xf32>
    %add3A_227 = arith.addf %mul3A_80, %add3A_226 : vector<5008x16xf32>
    %sub3A_228 = arith.subf %add3A_227, %mul3A_224 : vector<5008x16xf32>
    %max3A_229 = arith.constant 9.99999997E-7 : f32
    %max3A_230 = vector.broadcast %max3A_229 : f32 to vector<5008x16xf32>
    %max3A_231 = arith.maximumf %sub3A_228, %max3A_230 : vector<5008x16xf32>
    %slice3A_232 = vector.extract_strided_slice %eq3A_72 {offsets = [2, 0], sizes = [1, 16], strides = [1, 1]} : vector<8x16xi1> to vector<1x16xi1>
    %or3A_233 = vector.broadcast %slice3A_232 : vector<1x16xi1> to vector<5008x16xi1>
    %or3A_234 = arith.ori %eq3A_62, %or3A_233 : vector<5008x16xi1>
    %div3A_235 = arith.divf %mul3A_224, %max3A_231 : vector<5008x16xf32>
    %jit3A_236 = arith.constant 0.000000e+00 : f32
    %broadcast_in_dim3A_237 = vector.broadcast %jit3A_236 : f32 to vector<5008x16xf32>
    %select_n3A_238 = arith.select %or3A_234, %broadcast_in_dim3A_237, %div3A_235 : vector<5008x16xi1>, vector<5008x16xf32>
    %slice3A_239 = vector.extract_strided_slice %eq3A_72 {offsets = [2, 0], sizes = [1, 16], strides = [1, 1]} : vector<8x16xi1> to vector<1x16xi1>
    %and3A_240 = vector.broadcast %slice3A_239 : vector<1x16xi1> to vector<5008x16xi1>
    %and3A_241 = arith.andi %eq3A_62, %and3A_240 : vector<5008x16xi1>
    %not3A_242 = arith.constant dense<true> : vector<5008x16xi1>
    %not3A_243 = arith.xori %and3A_241, %not3A_242 : vector<5008x16xi1>
    %convert_element_type3A_244 = arith.extui %not3A_243 : vector<5008x16xi1> to vector<5008x16xi32>
    %convert_element_type3A_245 = arith.sitofp %convert_element_type3A_244 : vector<5008x16xi32> to vector<5008x16xf32>
    %reduce_sum3A_246 = arith.constant dense<0.000000e+00> : vector<5008xf32>
    %reduce_sum3A_247 = vector.multi_reduction <add>, %convert_element_type3A_245, %reduce_sum3A_246 [1] : vector<5008x16xf32> to vector<5008xf32>
    %broadcast_in_dim3A_248 = vector.shape_cast %reduce_sum3A_247 : vector<5008xf32> to vector<5008x1xf32>
    %max3A_249 = arith.constant 1.000000e+00 : f32
    %max3A_250 = vector.broadcast %max3A_249 : f32 to vector<5008x1xf32>
    %max3A_251 = arith.maximumf %broadcast_in_dim3A_248, %max3A_250 : vector<5008x1xf32>
    %reduce_sum3A_252 = arith.constant dense<0.000000e+00> : vector<5008xf32>
    %reduce_sum3A_253 = vector.multi_reduction <add>, %select_n3A_238, %reduce_sum3A_252 [1] : vector<5008x16xf32> to vector<5008xf32>
    %broadcast_in_dim3A_254 = vector.shape_cast %reduce_sum3A_253 : vector<5008xf32> to vector<5008x1xf32>
    %div3A_255 = arith.divf %broadcast_in_dim3A_254, %max3A_251 : vector<5008x1xf32>
    %slice3A_256 = vector.extract_strided_slice %get3A_18 {offsets = [3, 0], sizes = [1, 16], strides = [1, 1]} : vector<8x16xf32> to vector<1x16xf32>
    %min3A_257 = vector.broadcast %slice3A_256 : vector<1x16xf32> to vector<5008x16xf32>
    %min3A_258 = arith.minimumf %concatenate3A_45, %min3A_257 : vector<5008x16xf32>
    %slice3A_259 = vector.extract_strided_slice %get3A_8 {offsets = [3, 0], sizes = [1, 16], strides = [1, 1]} : vector<8x16xf32> to vector<1x16xf32>
    %max3A_260 = vector.broadcast %slice3A_259 : vector<1x16xf32> to vector<5008x16xf32>
    %max3A_261 = arith.maximumf %concatenate3A, %max3A_260 : vector<5008x16xf32>
    %sub3A_262 = arith.subf %min3A_258, %max3A_261 : vector<5008x16xf32>
    %add3A_263 = arith.constant 1.000000e+00 : f32
    %add3A_264 = vector.broadcast %add3A_263 : f32 to vector<5008x16xf32>
    %add3A_265 = arith.addf %sub3A_262, %add3A_264 : vector<5008x16xf32>
    %jit3A_266 = arith.constant 0.000000e+00 : f32
    %max3A_267 = vector.broadcast %jit3A_266 : f32 to vector<5008x16xf32>
    %max3A_268 = arith.maximumf %max3A_267, %add3A_265 : vector<5008x16xf32>
    %slice3A_269 = vector.extract_strided_slice %get3A_23 {offsets = [3, 0], sizes = [1, 16], strides = [1, 1]} : vector<8x16xf32> to vector<1x16xf32>
    %min3A_270 = vector.broadcast %slice3A_269 : vector<1x16xf32> to vector<5008x16xf32>
    %min3A_271 = arith.minimumf %concatenate3A_48, %min3A_270 : vector<5008x16xf32>
    %slice3A_272 = vector.extract_strided_slice %get3A_13 {offsets = [3, 0], sizes = [1, 16], strides = [1, 1]} : vector<8x16xf32> to vector<1x16xf32>
    %max3A_273 = vector.broadcast %slice3A_272 : vector<1x16xf32> to vector<5008x16xf32>
    %max3A_274 = arith.maximumf %concatenate3A_42, %max3A_273 : vector<5008x16xf32>
    %sub3A_275 = arith.subf %min3A_271, %max3A_274 : vector<5008x16xf32>
    %add3A_276 = arith.constant 1.000000e+00 : f32
    %add3A_277 = vector.broadcast %add3A_276 : f32 to vector<5008x16xf32>
    %add3A_278 = arith.addf %sub3A_275, %add3A_277 : vector<5008x16xf32>
    %jit3A_279 = arith.constant 0.000000e+00 : f32
    %max3A_280 = vector.broadcast %jit3A_279 : f32 to vector<5008x16xf32>
    %max3A_281 = arith.maximumf %max3A_280, %add3A_278 : vector<5008x16xf32>
    %mul3A_282 = arith.mulf %max3A_268, %max3A_281 : vector<5008x16xf32>
    %slice3A_283 = vector.extract_strided_slice %mul3A_89 {offsets = [3, 0], sizes = [1, 16], strides = [1, 1]} : vector<8x16xf32> to vector<1x16xf32>
    %add3A_284 = vector.broadcast %slice3A_283 : vector<1x16xf32> to vector<5008x16xf32>
    %add3A_285 = arith.addf %mul3A_80, %add3A_284 : vector<5008x16xf32>
    %sub3A_286 = arith.subf %add3A_285, %mul3A_282 : vector<5008x16xf32>
    %max3A_287 = arith.constant 9.99999997E-7 : f32
    %max3A_288 = vector.broadcast %max3A_287 : f32 to vector<5008x16xf32>
    %max3A_289 = arith.maximumf %sub3A_286, %max3A_288 : vector<5008x16xf32>
    %slice3A_290 = vector.extract_strided_slice %eq3A_72 {offsets = [3, 0], sizes = [1, 16], strides = [1, 1]} : vector<8x16xi1> to vector<1x16xi1>
    %or3A_291 = vector.broadcast %slice3A_290 : vector<1x16xi1> to vector<5008x16xi1>
    %or3A_292 = arith.ori %eq3A_62, %or3A_291 : vector<5008x16xi1>
    %div3A_293 = arith.divf %mul3A_282, %max3A_289 : vector<5008x16xf32>
    %jit3A_294 = arith.constant 0.000000e+00 : f32
    %broadcast_in_dim3A_295 = vector.broadcast %jit3A_294 : f32 to vector<5008x16xf32>
    %select_n3A_296 = arith.select %or3A_292, %broadcast_in_dim3A_295, %div3A_293 : vector<5008x16xi1>, vector<5008x16xf32>
    %slice3A_297 = vector.extract_strided_slice %eq3A_72 {offsets = [3, 0], sizes = [1, 16], strides = [1, 1]} : vector<8x16xi1> to vector<1x16xi1>
    %and3A_298 = vector.broadcast %slice3A_297 : vector<1x16xi1> to vector<5008x16xi1>
    %and3A_299 = arith.andi %eq3A_62, %and3A_298 : vector<5008x16xi1>
    %not3A_300 = arith.constant dense<true> : vector<5008x16xi1>
    %not3A_301 = arith.xori %and3A_299, %not3A_300 : vector<5008x16xi1>
    %convert_element_type3A_302 = arith.extui %not3A_301 : vector<5008x16xi1> to vector<5008x16xi32>
    %convert_element_type3A_303 = arith.sitofp %convert_element_type3A_302 : vector<5008x16xi32> to vector<5008x16xf32>
    %reduce_sum3A_304 = arith.constant dense<0.000000e+00> : vector<5008xf32>
    %reduce_sum3A_305 = vector.multi_reduction <add>, %convert_element_type3A_303, %reduce_sum3A_304 [1] : vector<5008x16xf32> to vector<5008xf32>
    %broadcast_in_dim3A_306 = vector.shape_cast %reduce_sum3A_305 : vector<5008xf32> to vector<5008x1xf32>
    %max3A_307 = arith.constant 1.000000e+00 : f32
    %max3A_308 = vector.broadcast %max3A_307 : f32 to vector<5008x1xf32>
    %max3A_309 = arith.maximumf %broadcast_in_dim3A_306, %max3A_308 : vector<5008x1xf32>
    %reduce_sum3A_310 = arith.constant dense<0.000000e+00> : vector<5008xf32>
    %reduce_sum3A_311 = vector.multi_reduction <add>, %select_n3A_296, %reduce_sum3A_310 [1] : vector<5008x16xf32> to vector<5008xf32>
    %broadcast_in_dim3A_312 = vector.shape_cast %reduce_sum3A_311 : vector<5008xf32> to vector<5008x1xf32>
    %div3A_313 = arith.divf %broadcast_in_dim3A_312, %max3A_309 : vector<5008x1xf32>
    %slice3A_314 = vector.extract_strided_slice %get3A_18 {offsets = [4, 0], sizes = [1, 16], strides = [1, 1]} : vector<8x16xf32> to vector<1x16xf32>
    %min3A_315 = vector.broadcast %slice3A_314 : vector<1x16xf32> to vector<5008x16xf32>
    %min3A_316 = arith.minimumf %concatenate3A_45, %min3A_315 : vector<5008x16xf32>
    %slice3A_317 = vector.extract_strided_slice %get3A_8 {offsets = [4, 0], sizes = [1, 16], strides = [1, 1]} : vector<8x16xf32> to vector<1x16xf32>
    %max3A_318 = vector.broadcast %slice3A_317 : vector<1x16xf32> to vector<5008x16xf32>
    %max3A_319 = arith.maximumf %concatenate3A, %max3A_318 : vector<5008x16xf32>
    %sub3A_320 = arith.subf %min3A_316, %max3A_319 : vector<5008x16xf32>
    %add3A_321 = arith.constant 1.000000e+00 : f32
    %add3A_322 = vector.broadcast %add3A_321 : f32 to vector<5008x16xf32>
    %add3A_323 = arith.addf %sub3A_320, %add3A_322 : vector<5008x16xf32>
    %jit3A_324 = arith.constant 0.000000e+00 : f32
    %max3A_325 = vector.broadcast %jit3A_324 : f32 to vector<5008x16xf32>
    %max3A_326 = arith.maximumf %max3A_325, %add3A_323 : vector<5008x16xf32>
    %slice3A_327 = vector.extract_strided_slice %get3A_23 {offsets = [4, 0], sizes = [1, 16], strides = [1, 1]} : vector<8x16xf32> to vector<1x16xf32>
    %min3A_328 = vector.broadcast %slice3A_327 : vector<1x16xf32> to vector<5008x16xf32>
    %min3A_329 = arith.minimumf %concatenate3A_48, %min3A_328 : vector<5008x16xf32>
    %slice3A_330 = vector.extract_strided_slice %get3A_13 {offsets = [4, 0], sizes = [1, 16], strides = [1, 1]} : vector<8x16xf32> to vector<1x16xf32>
    %max3A_331 = vector.broadcast %slice3A_330 : vector<1x16xf32> to vector<5008x16xf32>
    %max3A_332 = arith.maximumf %concatenate3A_42, %max3A_331 : vector<5008x16xf32>
    %sub3A_333 = arith.subf %min3A_329, %max3A_332 : vector<5008x16xf32>
    %add3A_334 = arith.constant 1.000000e+00 : f32
    %add3A_335 = vector.broadcast %add3A_334 : f32 to vector<5008x16xf32>
    %add3A_336 = arith.addf %sub3A_333, %add3A_335 : vector<5008x16xf32>
    %jit3A_337 = arith.constant 0.000000e+00 : f32
    %max3A_338 = vector.broadcast %jit3A_337 : f32 to vector<5008x16xf32>
    %max3A_339 = arith.maximumf %max3A_338, %add3A_336 : vector<5008x16xf32>
    %mul3A_340 = arith.mulf %max3A_326, %max3A_339 : vector<5008x16xf32>
    %slice3A_341 = vector.extract_strided_slice %mul3A_89 {offsets = [4, 0], sizes = [1, 16], strides = [1, 1]} : vector<8x16xf32> to vector<1x16xf32>
    %add3A_342 = vector.broadcast %slice3A_341 : vector<1x16xf32> to vector<5008x16xf32>
    %add3A_343 = arith.addf %mul3A_80, %add3A_342 : vector<5008x16xf32>
    %sub3A_344 = arith.subf %add3A_343, %mul3A_340 : vector<5008x16xf32>
    %max3A_345 = arith.constant 9.99999997E-7 : f32
    %max3A_346 = vector.broadcast %max3A_345 : f32 to vector<5008x16xf32>
    %max3A_347 = arith.maximumf %sub3A_344, %max3A_346 : vector<5008x16xf32>
    %slice3A_348 = vector.extract_strided_slice %eq3A_72 {offsets = [4, 0], sizes = [1, 16], strides = [1, 1]} : vector<8x16xi1> to vector<1x16xi1>
    %or3A_349 = vector.broadcast %slice3A_348 : vector<1x16xi1> to vector<5008x16xi1>
    %or3A_350 = arith.ori %eq3A_62, %or3A_349 : vector<5008x16xi1>
    %div3A_351 = arith.divf %mul3A_340, %max3A_347 : vector<5008x16xf32>
    %jit3A_352 = arith.constant 0.000000e+00 : f32
    %broadcast_in_dim3A_353 = vector.broadcast %jit3A_352 : f32 to vector<5008x16xf32>
    %select_n3A_354 = arith.select %or3A_350, %broadcast_in_dim3A_353, %div3A_351 : vector<5008x16xi1>, vector<5008x16xf32>
    %slice3A_355 = vector.extract_strided_slice %eq3A_72 {offsets = [4, 0], sizes = [1, 16], strides = [1, 1]} : vector<8x16xi1> to vector<1x16xi1>
    %and3A_356 = vector.broadcast %slice3A_355 : vector<1x16xi1> to vector<5008x16xi1>
    %and3A_357 = arith.andi %eq3A_62, %and3A_356 : vector<5008x16xi1>
    %not3A_358 = arith.constant dense<true> : vector<5008x16xi1>
    %not3A_359 = arith.xori %and3A_357, %not3A_358 : vector<5008x16xi1>
    %convert_element_type3A_360 = arith.extui %not3A_359 : vector<5008x16xi1> to vector<5008x16xi32>
    %convert_element_type3A_361 = arith.sitofp %convert_element_type3A_360 : vector<5008x16xi32> to vector<5008x16xf32>
    %reduce_sum3A_362 = arith.constant dense<0.000000e+00> : vector<5008xf32>
    %reduce_sum3A_363 = vector.multi_reduction <add>, %convert_element_type3A_361, %reduce_sum3A_362 [1] : vector<5008x16xf32> to vector<5008xf32>
    %broadcast_in_dim3A_364 = vector.shape_cast %reduce_sum3A_363 : vector<5008xf32> to vector<5008x1xf32>
    %max3A_365 = arith.constant 1.000000e+00 : f32
    %max3A_366 = vector.broadcast %max3A_365 : f32 to vector<5008x1xf32>
    %max3A_367 = arith.maximumf %broadcast_in_dim3A_364, %max3A_366 : vector<5008x1xf32>
    %reduce_sum3A_368 = arith.constant dense<0.000000e+00> : vector<5008xf32>
    %reduce_sum3A_369 = vector.multi_reduction <add>, %select_n3A_354, %reduce_sum3A_368 [1] : vector<5008x16xf32> to vector<5008xf32>
    %broadcast_in_dim3A_370 = vector.shape_cast %reduce_sum3A_369 : vector<5008xf32> to vector<5008x1xf32>
    %div3A_371 = arith.divf %broadcast_in_dim3A_370, %max3A_367 : vector<5008x1xf32>
    %slice3A_372 = vector.extract_strided_slice %get3A_18 {offsets = [5, 0], sizes = [1, 16], strides = [1, 1]} : vector<8x16xf32> to vector<1x16xf32>
    %min3A_373 = vector.broadcast %slice3A_372 : vector<1x16xf32> to vector<5008x16xf32>
    %min3A_374 = arith.minimumf %concatenate3A_45, %min3A_373 : vector<5008x16xf32>
    %slice3A_375 = vector.extract_strided_slice %get3A_8 {offsets = [5, 0], sizes = [1, 16], strides = [1, 1]} : vector<8x16xf32> to vector<1x16xf32>
    %max3A_376 = vector.broadcast %slice3A_375 : vector<1x16xf32> to vector<5008x16xf32>
    %max3A_377 = arith.maximumf %concatenate3A, %max3A_376 : vector<5008x16xf32>
    %sub3A_378 = arith.subf %min3A_374, %max3A_377 : vector<5008x16xf32>
    %add3A_379 = arith.constant 1.000000e+00 : f32
    %add3A_380 = vector.broadcast %add3A_379 : f32 to vector<5008x16xf32>
    %add3A_381 = arith.addf %sub3A_378, %add3A_380 : vector<5008x16xf32>
    %jit3A_382 = arith.constant 0.000000e+00 : f32
    %max3A_383 = vector.broadcast %jit3A_382 : f32 to vector<5008x16xf32>
    %max3A_384 = arith.maximumf %max3A_383, %add3A_381 : vector<5008x16xf32>
    %slice3A_385 = vector.extract_strided_slice %get3A_23 {offsets = [5, 0], sizes = [1, 16], strides = [1, 1]} : vector<8x16xf32> to vector<1x16xf32>
    %min3A_386 = vector.broadcast %slice3A_385 : vector<1x16xf32> to vector<5008x16xf32>
    %min3A_387 = arith.minimumf %concatenate3A_48, %min3A_386 : vector<5008x16xf32>
    %slice3A_388 = vector.extract_strided_slice %get3A_13 {offsets = [5, 0], sizes = [1, 16], strides = [1, 1]} : vector<8x16xf32> to vector<1x16xf32>
    %max3A_389 = vector.broadcast %slice3A_388 : vector<1x16xf32> to vector<5008x16xf32>
    %max3A_390 = arith.maximumf %concatenate3A_42, %max3A_389 : vector<5008x16xf32>
    %sub3A_391 = arith.subf %min3A_387, %max3A_390 : vector<5008x16xf32>
    %add3A_392 = arith.constant 1.000000e+00 : f32
    %add3A_393 = vector.broadcast %add3A_392 : f32 to vector<5008x16xf32>
    %add3A_394 = arith.addf %sub3A_391, %add3A_393 : vector<5008x16xf32>
    %jit3A_395 = arith.constant 0.000000e+00 : f32
    %max3A_396 = vector.broadcast %jit3A_395 : f32 to vector<5008x16xf32>
    %max3A_397 = arith.maximumf %max3A_396, %add3A_394 : vector<5008x16xf32>
    %mul3A_398 = arith.mulf %max3A_384, %max3A_397 : vector<5008x16xf32>
    %slice3A_399 = vector.extract_strided_slice %mul3A_89 {offsets = [5, 0], sizes = [1, 16], strides = [1, 1]} : vector<8x16xf32> to vector<1x16xf32>
    %add3A_400 = vector.broadcast %slice3A_399 : vector<1x16xf32> to vector<5008x16xf32>
    %add3A_401 = arith.addf %mul3A_80, %add3A_400 : vector<5008x16xf32>
    %sub3A_402 = arith.subf %add3A_401, %mul3A_398 : vector<5008x16xf32>
    %max3A_403 = arith.constant 9.99999997E-7 : f32
    %max3A_404 = vector.broadcast %max3A_403 : f32 to vector<5008x16xf32>
    %max3A_405 = arith.maximumf %sub3A_402, %max3A_404 : vector<5008x16xf32>
    %slice3A_406 = vector.extract_strided_slice %eq3A_72 {offsets = [5, 0], sizes = [1, 16], strides = [1, 1]} : vector<8x16xi1> to vector<1x16xi1>
    %or3A_407 = vector.broadcast %slice3A_406 : vector<1x16xi1> to vector<5008x16xi1>
    %or3A_408 = arith.ori %eq3A_62, %or3A_407 : vector<5008x16xi1>
    %div3A_409 = arith.divf %mul3A_398, %max3A_405 : vector<5008x16xf32>
    %jit3A_410 = arith.constant 0.000000e+00 : f32
    %broadcast_in_dim3A_411 = vector.broadcast %jit3A_410 : f32 to vector<5008x16xf32>
    %select_n3A_412 = arith.select %or3A_408, %broadcast_in_dim3A_411, %div3A_409 : vector<5008x16xi1>, vector<5008x16xf32>
    %slice3A_413 = vector.extract_strided_slice %eq3A_72 {offsets = [5, 0], sizes = [1, 16], strides = [1, 1]} : vector<8x16xi1> to vector<1x16xi1>
    %and3A_414 = vector.broadcast %slice3A_413 : vector<1x16xi1> to vector<5008x16xi1>
    %and3A_415 = arith.andi %eq3A_62, %and3A_414 : vector<5008x16xi1>
    %not3A_416 = arith.constant dense<true> : vector<5008x16xi1>
    %not3A_417 = arith.xori %and3A_415, %not3A_416 : vector<5008x16xi1>
    %convert_element_type3A_418 = arith.extui %not3A_417 : vector<5008x16xi1> to vector<5008x16xi32>
    %convert_element_type3A_419 = arith.sitofp %convert_element_type3A_418 : vector<5008x16xi32> to vector<5008x16xf32>
    %reduce_sum3A_420 = arith.constant dense<0.000000e+00> : vector<5008xf32>
    %reduce_sum3A_421 = vector.multi_reduction <add>, %convert_element_type3A_419, %reduce_sum3A_420 [1] : vector<5008x16xf32> to vector<5008xf32>
    %broadcast_in_dim3A_422 = vector.shape_cast %reduce_sum3A_421 : vector<5008xf32> to vector<5008x1xf32>
    %max3A_423 = arith.constant 1.000000e+00 : f32
    %max3A_424 = vector.broadcast %max3A_423 : f32 to vector<5008x1xf32>
    %max3A_425 = arith.maximumf %broadcast_in_dim3A_422, %max3A_424 : vector<5008x1xf32>
    %reduce_sum3A_426 = arith.constant dense<0.000000e+00> : vector<5008xf32>
    %reduce_sum3A_427 = vector.multi_reduction <add>, %select_n3A_412, %reduce_sum3A_426 [1] : vector<5008x16xf32> to vector<5008xf32>
    %broadcast_in_dim3A_428 = vector.shape_cast %reduce_sum3A_427 : vector<5008xf32> to vector<5008x1xf32>
    %div3A_429 = arith.divf %broadcast_in_dim3A_428, %max3A_425 : vector<5008x1xf32>
    %slice3A_430 = vector.extract_strided_slice %get3A_18 {offsets = [6, 0], sizes = [1, 16], strides = [1, 1]} : vector<8x16xf32> to vector<1x16xf32>
    %min3A_431 = vector.broadcast %slice3A_430 : vector<1x16xf32> to vector<5008x16xf32>
    %min3A_432 = arith.minimumf %concatenate3A_45, %min3A_431 : vector<5008x16xf32>
    %slice3A_433 = vector.extract_strided_slice %get3A_8 {offsets = [6, 0], sizes = [1, 16], strides = [1, 1]} : vector<8x16xf32> to vector<1x16xf32>
    %max3A_434 = vector.broadcast %slice3A_433 : vector<1x16xf32> to vector<5008x16xf32>
    %max3A_435 = arith.maximumf %concatenate3A, %max3A_434 : vector<5008x16xf32>
    %sub3A_436 = arith.subf %min3A_432, %max3A_435 : vector<5008x16xf32>
    %add3A_437 = arith.constant 1.000000e+00 : f32
    %add3A_438 = vector.broadcast %add3A_437 : f32 to vector<5008x16xf32>
    %add3A_439 = arith.addf %sub3A_436, %add3A_438 : vector<5008x16xf32>
    %jit3A_440 = arith.constant 0.000000e+00 : f32
    %max3A_441 = vector.broadcast %jit3A_440 : f32 to vector<5008x16xf32>
    %max3A_442 = arith.maximumf %max3A_441, %add3A_439 : vector<5008x16xf32>
    %slice3A_443 = vector.extract_strided_slice %get3A_23 {offsets = [6, 0], sizes = [1, 16], strides = [1, 1]} : vector<8x16xf32> to vector<1x16xf32>
    %min3A_444 = vector.broadcast %slice3A_443 : vector<1x16xf32> to vector<5008x16xf32>
    %min3A_445 = arith.minimumf %concatenate3A_48, %min3A_444 : vector<5008x16xf32>
    %slice3A_446 = vector.extract_strided_slice %get3A_13 {offsets = [6, 0], sizes = [1, 16], strides = [1, 1]} : vector<8x16xf32> to vector<1x16xf32>
    %max3A_447 = vector.broadcast %slice3A_446 : vector<1x16xf32> to vector<5008x16xf32>
    %max3A_448 = arith.maximumf %concatenate3A_42, %max3A_447 : vector<5008x16xf32>
    %sub3A_449 = arith.subf %min3A_445, %max3A_448 : vector<5008x16xf32>
    %add3A_450 = arith.constant 1.000000e+00 : f32
    %add3A_451 = vector.broadcast %add3A_450 : f32 to vector<5008x16xf32>
    %add3A_452 = arith.addf %sub3A_449, %add3A_451 : vector<5008x16xf32>
    %jit3A_453 = arith.constant 0.000000e+00 : f32
    %max3A_454 = vector.broadcast %jit3A_453 : f32 to vector<5008x16xf32>
    %max3A_455 = arith.maximumf %max3A_454, %add3A_452 : vector<5008x16xf32>
    %mul3A_456 = arith.mulf %max3A_442, %max3A_455 : vector<5008x16xf32>
    %slice3A_457 = vector.extract_strided_slice %mul3A_89 {offsets = [6, 0], sizes = [1, 16], strides = [1, 1]} : vector<8x16xf32> to vector<1x16xf32>
    %add3A_458 = vector.broadcast %slice3A_457 : vector<1x16xf32> to vector<5008x16xf32>
    %add3A_459 = arith.addf %mul3A_80, %add3A_458 : vector<5008x16xf32>
    %sub3A_460 = arith.subf %add3A_459, %mul3A_456 : vector<5008x16xf32>
    %max3A_461 = arith.constant 9.99999997E-7 : f32
    %max3A_462 = vector.broadcast %max3A_461 : f32 to vector<5008x16xf32>
    %max3A_463 = arith.maximumf %sub3A_460, %max3A_462 : vector<5008x16xf32>
    %slice3A_464 = vector.extract_strided_slice %eq3A_72 {offsets = [6, 0], sizes = [1, 16], strides = [1, 1]} : vector<8x16xi1> to vector<1x16xi1>
    %or3A_465 = vector.broadcast %slice3A_464 : vector<1x16xi1> to vector<5008x16xi1>
    %or3A_466 = arith.ori %eq3A_62, %or3A_465 : vector<5008x16xi1>
    %div3A_467 = arith.divf %mul3A_456, %max3A_463 : vector<5008x16xf32>
    %jit3A_468 = arith.constant 0.000000e+00 : f32
    %broadcast_in_dim3A_469 = vector.broadcast %jit3A_468 : f32 to vector<5008x16xf32>
    %select_n3A_470 = arith.select %or3A_466, %broadcast_in_dim3A_469, %div3A_467 : vector<5008x16xi1>, vector<5008x16xf32>
    %slice3A_471 = vector.extract_strided_slice %eq3A_72 {offsets = [6, 0], sizes = [1, 16], strides = [1, 1]} : vector<8x16xi1> to vector<1x16xi1>
    %and3A_472 = vector.broadcast %slice3A_471 : vector<1x16xi1> to vector<5008x16xi1>
    %and3A_473 = arith.andi %eq3A_62, %and3A_472 : vector<5008x16xi1>
    %not3A_474 = arith.constant dense<true> : vector<5008x16xi1>
    %not3A_475 = arith.xori %and3A_473, %not3A_474 : vector<5008x16xi1>
    %convert_element_type3A_476 = arith.extui %not3A_475 : vector<5008x16xi1> to vector<5008x16xi32>
    %convert_element_type3A_477 = arith.sitofp %convert_element_type3A_476 : vector<5008x16xi32> to vector<5008x16xf32>
    %reduce_sum3A_478 = arith.constant dense<0.000000e+00> : vector<5008xf32>
    %reduce_sum3A_479 = vector.multi_reduction <add>, %convert_element_type3A_477, %reduce_sum3A_478 [1] : vector<5008x16xf32> to vector<5008xf32>
    %broadcast_in_dim3A_480 = vector.shape_cast %reduce_sum3A_479 : vector<5008xf32> to vector<5008x1xf32>
    %max3A_481 = arith.constant 1.000000e+00 : f32
    %max3A_482 = vector.broadcast %max3A_481 : f32 to vector<5008x1xf32>
    %max3A_483 = arith.maximumf %broadcast_in_dim3A_480, %max3A_482 : vector<5008x1xf32>
    %reduce_sum3A_484 = arith.constant dense<0.000000e+00> : vector<5008xf32>
    %reduce_sum3A_485 = vector.multi_reduction <add>, %select_n3A_470, %reduce_sum3A_484 [1] : vector<5008x16xf32> to vector<5008xf32>
    %broadcast_in_dim3A_486 = vector.shape_cast %reduce_sum3A_485 : vector<5008xf32> to vector<5008x1xf32>
    %div3A_487 = arith.divf %broadcast_in_dim3A_486, %max3A_483 : vector<5008x1xf32>
    %slice3A_488 = vector.extract_strided_slice %get3A_18 {offsets = [7, 0], sizes = [1, 16], strides = [1, 1]} : vector<8x16xf32> to vector<1x16xf32>
    %min3A_489 = vector.broadcast %slice3A_488 : vector<1x16xf32> to vector<5008x16xf32>
    %min3A_490 = arith.minimumf %concatenate3A_45, %min3A_489 : vector<5008x16xf32>
    %slice3A_491 = vector.extract_strided_slice %get3A_8 {offsets = [7, 0], sizes = [1, 16], strides = [1, 1]} : vector<8x16xf32> to vector<1x16xf32>
    %max3A_492 = vector.broadcast %slice3A_491 : vector<1x16xf32> to vector<5008x16xf32>
    %max3A_493 = arith.maximumf %concatenate3A, %max3A_492 : vector<5008x16xf32>
    %sub3A_494 = arith.subf %min3A_490, %max3A_493 : vector<5008x16xf32>
    %add3A_495 = arith.constant 1.000000e+00 : f32
    %add3A_496 = vector.broadcast %add3A_495 : f32 to vector<5008x16xf32>
    %add3A_497 = arith.addf %sub3A_494, %add3A_496 : vector<5008x16xf32>
    %jit3A_498 = arith.constant 0.000000e+00 : f32
    %max3A_499 = vector.broadcast %jit3A_498 : f32 to vector<5008x16xf32>
    %max3A_500 = arith.maximumf %max3A_499, %add3A_497 : vector<5008x16xf32>
    %slice3A_501 = vector.extract_strided_slice %get3A_23 {offsets = [7, 0], sizes = [1, 16], strides = [1, 1]} : vector<8x16xf32> to vector<1x16xf32>
    %min3A_502 = vector.broadcast %slice3A_501 : vector<1x16xf32> to vector<5008x16xf32>
    %min3A_503 = arith.minimumf %concatenate3A_48, %min3A_502 : vector<5008x16xf32>
    %slice3A_504 = vector.extract_strided_slice %get3A_13 {offsets = [7, 0], sizes = [1, 16], strides = [1, 1]} : vector<8x16xf32> to vector<1x16xf32>
    %max3A_505 = vector.broadcast %slice3A_504 : vector<1x16xf32> to vector<5008x16xf32>
    %max3A_506 = arith.maximumf %concatenate3A_42, %max3A_505 : vector<5008x16xf32>
    %sub3A_507 = arith.subf %min3A_503, %max3A_506 : vector<5008x16xf32>
    %add3A_508 = arith.constant 1.000000e+00 : f32
    %add3A_509 = vector.broadcast %add3A_508 : f32 to vector<5008x16xf32>
    %add3A_510 = arith.addf %sub3A_507, %add3A_509 : vector<5008x16xf32>
    %jit3A_511 = arith.constant 0.000000e+00 : f32
    %max3A_512 = vector.broadcast %jit3A_511 : f32 to vector<5008x16xf32>
    %max3A_513 = arith.maximumf %max3A_512, %add3A_510 : vector<5008x16xf32>
    %mul3A_514 = arith.mulf %max3A_500, %max3A_513 : vector<5008x16xf32>
    %slice3A_515 = vector.extract_strided_slice %mul3A_89 {offsets = [7, 0], sizes = [1, 16], strides = [1, 1]} : vector<8x16xf32> to vector<1x16xf32>
    %add3A_516 = vector.broadcast %slice3A_515 : vector<1x16xf32> to vector<5008x16xf32>
    %add3A_517 = arith.addf %mul3A_80, %add3A_516 : vector<5008x16xf32>
    %sub3A_518 = arith.subf %add3A_517, %mul3A_514 : vector<5008x16xf32>
    %max3A_519 = arith.constant 9.99999997E-7 : f32
    %max3A_520 = vector.broadcast %max3A_519 : f32 to vector<5008x16xf32>
    %max3A_521 = arith.maximumf %sub3A_518, %max3A_520 : vector<5008x16xf32>
    %slice3A_522 = vector.extract_strided_slice %eq3A_72 {offsets = [7, 0], sizes = [1, 16], strides = [1, 1]} : vector<8x16xi1> to vector<1x16xi1>
    %or3A_523 = vector.broadcast %slice3A_522 : vector<1x16xi1> to vector<5008x16xi1>
    %or3A_524 = arith.ori %eq3A_62, %or3A_523 : vector<5008x16xi1>
    %div3A_525 = arith.divf %mul3A_514, %max3A_521 : vector<5008x16xf32>
    %jit3A_526 = arith.constant 0.000000e+00 : f32
    %broadcast_in_dim3A_527 = vector.broadcast %jit3A_526 : f32 to vector<5008x16xf32>
    %select_n3A_528 = arith.select %or3A_524, %broadcast_in_dim3A_527, %div3A_525 : vector<5008x16xi1>, vector<5008x16xf32>
    %slice3A_529 = vector.extract_strided_slice %eq3A_72 {offsets = [7, 0], sizes = [1, 16], strides = [1, 1]} : vector<8x16xi1> to vector<1x16xi1>
    %and3A_530 = vector.broadcast %slice3A_529 : vector<1x16xi1> to vector<5008x16xi1>
    %and3A_531 = arith.andi %eq3A_62, %and3A_530 : vector<5008x16xi1>
    %not3A_532 = arith.constant dense<true> : vector<5008x16xi1>
    %not3A_533 = arith.xori %and3A_531, %not3A_532 : vector<5008x16xi1>
    %convert_element_type3A_534 = arith.extui %not3A_533 : vector<5008x16xi1> to vector<5008x16xi32>
    %convert_element_type3A_535 = arith.sitofp %convert_element_type3A_534 : vector<5008x16xi32> to vector<5008x16xf32>
    %reduce_sum3A_536 = arith.constant dense<0.000000e+00> : vector<5008xf32>
    %reduce_sum3A_537 = vector.multi_reduction <add>, %convert_element_type3A_535, %reduce_sum3A_536 [1] : vector<5008x16xf32> to vector<5008xf32>
    %broadcast_in_dim3A_538 = vector.shape_cast %reduce_sum3A_537 : vector<5008xf32> to vector<5008x1xf32>
    %max3A_539 = arith.constant 1.000000e+00 : f32
    %max3A_540 = vector.broadcast %max3A_539 : f32 to vector<5008x1xf32>
    %max3A_541 = arith.maximumf %broadcast_in_dim3A_538, %max3A_540 : vector<5008x1xf32>
    %reduce_sum3A_542 = arith.constant dense<0.000000e+00> : vector<5008xf32>
    %reduce_sum3A_543 = vector.multi_reduction <add>, %select_n3A_528, %reduce_sum3A_542 [1] : vector<5008x16xf32> to vector<5008xf32>
    %broadcast_in_dim3A_544 = vector.shape_cast %reduce_sum3A_543 : vector<5008xf32> to vector<5008x1xf32>
    %div3A_545 = arith.divf %broadcast_in_dim3A_544, %max3A_541 : vector<5008x1xf32>
    %concatenate3A_546 = tpu.concatenate %div3A_139, %div3A_197, %div3A_255, %div3A_313, %div3A_371, %div3A_429, %div3A_487, %div3A_545 in 1 : vector<5008x1xf32>, vector<5008x1xf32>, vector<5008x1xf32>, vector<5008x1xf32>, vector<5008x1xf32>, vector<5008x1xf32>, vector<5008x1xf32>, vector<5008x1xf32> -> vector<5008x8xf32>
    %reduce_max3A = arith.constant dense<0xFF800000> : vector<5008xf32>
    %reduce_max3A_547 = vector.multi_reduction <maximumf>, %concatenate3A_546, %reduce_max3A [1] : vector<5008x8xf32> to vector<5008xf32>
    %broadcast_in_dim3A_548 = vector.shape_cast %reduce_max3A_547 : vector<5008xf32> to vector<5008x1xf32>
    %iota3A_549 = tpu.iota {dimensions = array<i32: 1>} : vector<5008x8xi32>
    %convert_element_type3A_550 = arith.sitofp %iota3A_549 : vector<5008x8xi32> to vector<5008x8xf32>
    %ge3A_551 = vector.broadcast %broadcast_in_dim3A_548 : vector<5008x1xf32> to vector<5008x8xf32>
    %ge3A_552 = arith.cmpf oge, %concatenate3A_546, %ge3A_551 : vector<5008x8xf32>
    %jit3A_553 = arith.constant 9.900000e+01 : f32
    %broadcast_in_dim3A_554 = vector.broadcast %jit3A_553 : f32 to vector<5008x8xf32>
    %select_n3A_555 = arith.select %ge3A_552, %convert_element_type3A_550, %broadcast_in_dim3A_554 : vector<5008x8xi1>, vector<5008x8xf32>
    %reduce_min3A = arith.constant dense<0x7F800000> : vector<5008xf32>
    %reduce_min3A_556 = vector.multi_reduction <minimumf>, %select_n3A_555, %reduce_min3A [1] : vector<5008x8xf32> to vector<5008xf32>
    %broadcast_in_dim3A_557 = vector.shape_cast %reduce_min3A_556 : vector<5008xf32> to vector<5008x1xf32>
    %ne3A = arith.constant 0.000000e+00 : f32
    %ne3A_558 = vector.broadcast %ne3A : f32 to vector<8x16xf32>
    %ne3A_559 = arith.cmpf one, %get3A_28, %ne3A_558 : vector<8x16xf32>
    %reduce_or3A = arith.constant 1.000000e+00 : f32
    %reduce_or3A_560 = arith.constant 0.000000e+00 : f32
    %reduce_or3A_561 = vector.broadcast %reduce_or3A : f32 to vector<8x16xf32>
    %reduce_or3A_562 = vector.broadcast %reduce_or3A_560 : f32 to vector<8x16xf32>
    %reduce_or3A_563 = arith.select %ne3A_559, %reduce_or3A_561, %reduce_or3A_562 : vector<8x16xi1>, vector<8x16xf32>
    %reduce_or3A_564 = arith.constant dense<0xFF800000> : vector<8xf32>
    %reduce_or3A_565 = vector.multi_reduction <maximumf>, %reduce_or3A_563, %reduce_or3A_564 [1] : vector<8x16xf32> to vector<8xf32>
    %reduce_or3A_566 = arith.constant 0.000000e+00 : f32
    %reduce_or3A_567 = vector.broadcast %reduce_or3A_566 : f32 to vector<8xf32>
    %reduce_or3A_568 = arith.cmpf ogt, %reduce_or3A_565, %reduce_or3A_567 : vector<8xf32>
    %broadcast_in_dim3A_569 = vector.shape_cast %reduce_or3A_568 : vector<8xi1> to vector<8x1xi1>
    %iota3A_570 = tpu.iota {dimensions = array<i32: 1>} : vector<8x16xi32>
    %convert_element_type3A_571 = arith.sitofp %iota3A_570 : vector<8x16xi32> to vector<8x16xf32>
    %jit3A_572 = arith.constant 9.900000e+01 : f32
    %broadcast_in_dim3A_573 = vector.broadcast %jit3A_572 : f32 to vector<8x16xf32>
    %select_n3A_574 = arith.select %ne3A_559, %convert_element_type3A_571, %broadcast_in_dim3A_573 : vector<8x16xi1>, vector<8x16xf32>
    %reduce_min3A_575 = arith.constant dense<0x7F800000> : vector<8xf32>
    %reduce_min3A_576 = vector.multi_reduction <minimumf>, %select_n3A_574, %reduce_min3A_575 [1] : vector<8x16xf32> to vector<8xf32>
    %broadcast_in_dim3A_577 = vector.shape_cast %reduce_min3A_576 : vector<8xf32> to vector<8x1xf32>
    %eq3A_578 = vector.broadcast %broadcast_in_dim3A_577 : vector<8x1xf32> to vector<8x16xf32>
    %eq3A_579 = arith.cmpf oeq, %convert_element_type3A_571, %eq3A_578 : vector<8x16xf32>
    %jit3A_580 = arith.constant 0.000000e+00 : f32
    %broadcast_in_dim3A_581 = vector.broadcast %jit3A_580 : f32 to vector<8x16xf32>
    %select_n3A_582 = arith.select %eq3A_579, %get3A_28, %broadcast_in_dim3A_581 : vector<8x16xi1>, vector<8x16xf32>
    %reduce_sum3A_583 = arith.constant dense<0.000000e+00> : vector<8xf32>
    %reduce_sum3A_584 = vector.multi_reduction <add>, %select_n3A_582, %reduce_sum3A_583 [1] : vector<8x16xf32> to vector<8xf32>
    %broadcast_in_dim3A_585 = vector.shape_cast %reduce_sum3A_584 : vector<8xf32> to vector<8x1xf32>
    %jit3A_586 = arith.constant 0.000000e+00 : f32
    %broadcast_in_dim3A_587 = vector.broadcast %jit3A_586 : f32 to vector<8x1xf32>
    %select_n3A_588 = arith.select %broadcast_in_dim3A_569, %broadcast_in_dim3A_585, %broadcast_in_dim3A_587 : vector<8x1xi1>, vector<8x1xf32>
    %broadcast_in_dim3A_589 = arith.constant 0.000000e+00 : f32
    %broadcast_in_dim3A_590 = vector.broadcast %broadcast_in_dim3A_589 : f32 to vector<8x63xf32>
    %concatenate3A_591 = tpu.concatenate %get3A_8, %get3A_13, %get3A_18, %get3A_23, %select_n3A_588, %broadcast_in_dim3A_590 in 1 : vector<8x16xf32>, vector<8x16xf32>, vector<8x16xf32>, vector<8x16xf32>, vector<8x1xf32>, vector<8x63xf32> -> vector<8x128xf32>
    %swap3A_592 = arith.constant 0 : index
    %swap3A_593 = arith.constant 0 : index
    %swap3A_594 = arith.constant 0 : index
    %swap3A_595 = vector.load %arg8[%swap3A_592, %swap3A_593, %swap3A_594] : memref<1x8x128xf32, #tpu.memory_space<vmem>>, vector<1x8x128xf32>
    %swap3A_596 = vector.shape_cast %swap3A_595 : vector<1x8x128xf32> to vector<8x128xf32>
    %swap3A_597 = vector.shape_cast %concatenate3A_591 : vector<8x128xf32> to vector<1x8x128xf32>
    tpu.vector_store %arg8[%swap3A_592, %swap3A_593, %swap3A_594], %swap3A_597 {strides = array<i32>} : memref<1x8x128xf32, #tpu.memory_space<vmem>>, vector<1x8x128xf32>,
    %ge3A_598 = arith.constant 5.000000e-01 : f32
    %ge3A_599 = vector.broadcast %ge3A_598 : f32 to vector<5008x1xf32>
    %ge3A_600 = arith.cmpf oge, %broadcast_in_dim3A_548, %ge3A_599 : vector<5008x1xf32>
    %convert_element_type3A_601 = arith.extui %ge3A_600 : vector<5008x1xi1> to vector<5008x1xi32>
    %convert_element_type3A_602 = arith.sitofp %convert_element_type3A_601 : vector<5008x1xi32> to vector<5008x1xf32>
    %lt3A = arith.constant 5.000000e-01 : f32
    %lt3A_603 = vector.broadcast %lt3A : f32 to vector<5008x1xf32>
    %lt3A_604 = arith.cmpf olt, %broadcast_in_dim3A_548, %lt3A_603 : vector<5008x1xf32>
    %ge3A_605 = arith.constant 1.000000e-01 : f32
    %ge3A_606 = vector.broadcast %ge3A_605 : f32 to vector<5008x1xf32>
    %ge3A_607 = arith.cmpf oge, %broadcast_in_dim3A_548, %ge3A_606 : vector<5008x1xf32>
    %and3A_608 = arith.andi %lt3A_604, %ge3A_607 : vector<5008x1xi1>
    %convert_element_type3A_609 = arith.extui %and3A_608 : vector<5008x1xi1> to vector<5008x1xi32>
    %convert_element_type3A_610 = arith.sitofp %convert_element_type3A_609 : vector<5008x1xi32> to vector<5008x1xf32>
    %reduce_sum3A_611 = vector.shape_cast %convert_element_type3A_602 : vector<5008x1xf32> to vector<1x5008x1xf32>
    %reduce_sum3A_612 = arith.constant dense<0.000000e+00> : vector<1xf32>
    %reduce_sum3A_613 = vector.multi_reduction <add>, %reduce_sum3A_611, %reduce_sum3A_612 [1, 2] : vector<1x5008x1xf32> to vector<1xf32>
    %reduce_sum3A_614 = vector.shape_cast %reduce_sum3A_613 : vector<1xf32> to vector<1x1x1xf32>
    %reduce_sum3A_615 = vector.extract %reduce_sum3A_614[0, 0, 0] : f32 from vector<1x1x1xf32>
    %broadcast_in_dim3A_616 = vector.broadcast %reduce_sum3A_615 : f32 to vector<1x1xf32>
    %reduce_sum3A_617 = vector.shape_cast %convert_element_type3A_610 : vector<5008x1xf32> to vector<1x5008x1xf32>
    %reduce_sum3A_618 = arith.constant dense<0.000000e+00> : vector<1xf32>
    %reduce_sum3A_619 = vector.multi_reduction <add>, %reduce_sum3A_617, %reduce_sum3A_618 [1, 2] : vector<1x5008x1xf32> to vector<1xf32>
    %reduce_sum3A_620 = vector.shape_cast %reduce_sum3A_619 : vector<1xf32> to vector<1x1x1xf32>
    %reduce_sum3A_621 = vector.extract %reduce_sum3A_620[0, 0, 0] : f32 from vector<1x1x1xf32>
    %broadcast_in_dim3A_622 = vector.broadcast %reduce_sum3A_621 : f32 to vector<1x1xf32>
    %broadcast_in_dim3A_623 = arith.constant 0.000000e+00 : f32
    %broadcast_in_dim3A_624 = vector.broadcast %broadcast_in_dim3A_623 : f32 to vector<1x1xf32>
    %slice3A_625 = vector.extract_strided_slice %convert_element_type3A_602 {offsets = [0, 0], sizes = [5007, 1], strides = [1, 1]} : vector<5008x1xf32> to vector<5007x1xf32>
    %concatenate3A_626 = tpu.concatenate %broadcast_in_dim3A_624, %slice3A_625 in 0 : vector<1x1xf32>, vector<5007x1xf32> -> vector<5008x1xf32>
    %add3A_627 = arith.addf %convert_element_type3A_602, %concatenate3A_626 : vector<5008x1xf32>
    %broadcast_in_dim3A_628 = arith.constant 0.000000e+00 : f32
    %broadcast_in_dim3A_629 = vector.broadcast %broadcast_in_dim3A_628 : f32 to vector<2x1xf32>
    %slice3A_630 = vector.extract_strided_slice %add3A_627 {offsets = [0, 0], sizes = [5006, 1], strides = [1, 1]} : vector<5008x1xf32> to vector<5006x1xf32>
    %concatenate3A_631 = tpu.concatenate %broadcast_in_dim3A_629, %slice3A_630 in 0 : vector<2x1xf32>, vector<5006x1xf32> -> vector<5008x1xf32>
    %add3A_632 = arith.addf %add3A_627, %concatenate3A_631 : vector<5008x1xf32>
    %broadcast_in_dim3A_633 = arith.constant 0.000000e+00 : f32
    %broadcast_in_dim3A_634 = vector.broadcast %broadcast_in_dim3A_633 : f32 to vector<4x1xf32>
    %slice3A_635 = vector.extract_strided_slice %add3A_632 {offsets = [0, 0], sizes = [5004, 1], strides = [1, 1]} : vector<5008x1xf32> to vector<5004x1xf32>
    %concatenate3A_636 = tpu.concatenate %broadcast_in_dim3A_634, %slice3A_635 in 0 : vector<4x1xf32>, vector<5004x1xf32> -> vector<5008x1xf32>
    %add3A_637 = arith.addf %add3A_632, %concatenate3A_636 : vector<5008x1xf32>
    %broadcast_in_dim3A_638 = arith.constant 0.000000e+00 : f32
    %broadcast_in_dim3A_639 = vector.broadcast %broadcast_in_dim3A_638 : f32 to vector<8x1xf32>
    %slice3A_640 = vector.extract_strided_slice %add3A_637 {offsets = [0, 0], sizes = [5000, 1], strides = [1, 1]} : vector<5008x1xf32> to vector<5000x1xf32>
    %concatenate3A_641 = tpu.concatenate %broadcast_in_dim3A_639, %slice3A_640 in 0 : vector<8x1xf32>, vector<5000x1xf32> -> vector<5008x1xf32>
    %add3A_642 = arith.addf %add3A_637, %concatenate3A_641 : vector<5008x1xf32>
    %broadcast_in_dim3A_643 = arith.constant 0.000000e+00 : f32
    %broadcast_in_dim3A_644 = vector.broadcast %broadcast_in_dim3A_643 : f32 to vector<16x1xf32>
    %slice3A_645 = vector.extract_strided_slice %add3A_642 {offsets = [0, 0], sizes = [4992, 1], strides = [1, 1]} : vector<5008x1xf32> to vector<4992x1xf32>
    %concatenate3A_646 = tpu.concatenate %broadcast_in_dim3A_644, %slice3A_645 in 0 : vector<16x1xf32>, vector<4992x1xf32> -> vector<5008x1xf32>
    %add3A_647 = arith.addf %add3A_642, %concatenate3A_646 : vector<5008x1xf32>
    %broadcast_in_dim3A_648 = arith.constant 0.000000e+00 : f32
    %broadcast_in_dim3A_649 = vector.broadcast %broadcast_in_dim3A_648 : f32 to vector<32x1xf32>
    %slice3A_650 = vector.extract_strided_slice %add3A_647 {offsets = [0, 0], sizes = [4976, 1], strides = [1, 1]} : vector<5008x1xf32> to vector<4976x1xf32>
    %concatenate3A_651 = tpu.concatenate %broadcast_in_dim3A_649, %slice3A_650 in 0 : vector<32x1xf32>, vector<4976x1xf32> -> vector<5008x1xf32>
    %add3A_652 = arith.addf %add3A_647, %concatenate3A_651 : vector<5008x1xf32>
    %broadcast_in_dim3A_653 = arith.constant 0.000000e+00 : f32
    %broadcast_in_dim3A_654 = vector.broadcast %broadcast_in_dim3A_653 : f32 to vector<64x1xf32>
    %slice3A_655 = vector.extract_strided_slice %add3A_652 {offsets = [0, 0], sizes = [4944, 1], strides = [1, 1]} : vector<5008x1xf32> to vector<4944x1xf32>
    %concatenate3A_656 = tpu.concatenate %broadcast_in_dim3A_654, %slice3A_655 in 0 : vector<64x1xf32>, vector<4944x1xf32> -> vector<5008x1xf32>
    %add3A_657 = arith.addf %add3A_652, %concatenate3A_656 : vector<5008x1xf32>
    %broadcast_in_dim3A_658 = arith.constant 0.000000e+00 : f32
    %broadcast_in_dim3A_659 = vector.broadcast %broadcast_in_dim3A_658 : f32 to vector<128x1xf32>
    %slice3A_660 = vector.extract_strided_slice %add3A_657 {offsets = [0, 0], sizes = [4880, 1], strides = [1, 1]} : vector<5008x1xf32> to vector<4880x1xf32>
    %concatenate3A_661 = tpu.concatenate %broadcast_in_dim3A_659, %slice3A_660 in 0 : vector<128x1xf32>, vector<4880x1xf32> -> vector<5008x1xf32>
    %add3A_662 = arith.addf %add3A_657, %concatenate3A_661 : vector<5008x1xf32>
    %broadcast_in_dim3A_663 = arith.constant 0.000000e+00 : f32
    %broadcast_in_dim3A_664 = vector.broadcast %broadcast_in_dim3A_663 : f32 to vector<256x1xf32>
    %slice3A_665 = vector.extract_strided_slice %add3A_662 {offsets = [0, 0], sizes = [4752, 1], strides = [1, 1]} : vector<5008x1xf32> to vector<4752x1xf32>
    %concatenate3A_666 = tpu.concatenate %broadcast_in_dim3A_664, %slice3A_665 in 0 : vector<256x1xf32>, vector<4752x1xf32> -> vector<5008x1xf32>
    %add3A_667 = arith.addf %add3A_662, %concatenate3A_666 : vector<5008x1xf32>
    %broadcast_in_dim3A_668 = arith.constant 0.000000e+00 : f32
    %broadcast_in_dim3A_669 = vector.broadcast %broadcast_in_dim3A_668 : f32 to vector<512x1xf32>
    %slice3A_670 = vector.extract_strided_slice %add3A_667 {offsets = [0, 0], sizes = [4496, 1], strides = [1, 1]} : vector<5008x1xf32> to vector<4496x1xf32>
    %concatenate3A_671 = tpu.concatenate %broadcast_in_dim3A_669, %slice3A_670 in 0 : vector<512x1xf32>, vector<4496x1xf32> -> vector<5008x1xf32>
    %add3A_672 = arith.addf %add3A_667, %concatenate3A_671 : vector<5008x1xf32>
    %broadcast_in_dim3A_673 = arith.constant 0.000000e+00 : f32
    %broadcast_in_dim3A_674 = vector.broadcast %broadcast_in_dim3A_673 : f32 to vector<1024x1xf32>
    %slice3A_675 = vector.extract_strided_slice %add3A_672 {offsets = [0, 0], sizes = [3984, 1], strides = [1, 1]} : vector<5008x1xf32> to vector<3984x1xf32>
    %concatenate3A_676 = tpu.concatenate %broadcast_in_dim3A_674, %slice3A_675 in 0 : vector<1024x1xf32>, vector<3984x1xf32> -> vector<5008x1xf32>
    %add3A_677 = arith.addf %add3A_672, %concatenate3A_676 : vector<5008x1xf32>
    %broadcast_in_dim3A_678 = arith.constant 0.000000e+00 : f32
    %broadcast_in_dim3A_679 = vector.broadcast %broadcast_in_dim3A_678 : f32 to vector<2048x1xf32>
    %slice3A_680 = vector.extract_strided_slice %add3A_677 {offsets = [0, 0], sizes = [2960, 1], strides = [1, 1]} : vector<5008x1xf32> to vector<2960x1xf32>
    %concatenate3A_681 = tpu.concatenate %broadcast_in_dim3A_679, %slice3A_680 in 0 : vector<2048x1xf32>, vector<2960x1xf32> -> vector<5008x1xf32>
    %add3A_682 = arith.addf %add3A_677, %concatenate3A_681 : vector<5008x1xf32>
    %broadcast_in_dim3A_683 = arith.constant 0.000000e+00 : f32
    %broadcast_in_dim3A_684 = vector.broadcast %broadcast_in_dim3A_683 : f32 to vector<4096x1xf32>
    %slice3A_685 = vector.extract_strided_slice %add3A_682 {offsets = [0, 0], sizes = [912, 1], strides = [1, 1]} : vector<5008x1xf32> to vector<912x1xf32>
    %concatenate3A_686 = tpu.concatenate %broadcast_in_dim3A_684, %slice3A_685 in 0 : vector<4096x1xf32>, vector<912x1xf32> -> vector<5008x1xf32>
    %add3A_687 = arith.addf %add3A_682, %concatenate3A_686 : vector<5008x1xf32>
    %sub3A_688 = arith.subf %add3A_687, %convert_element_type3A_602 : vector<5008x1xf32>
    %broadcast_in_dim3A_689 = arith.constant 0.000000e+00 : f32
    %broadcast_in_dim3A_690 = vector.broadcast %broadcast_in_dim3A_689 : f32 to vector<1x1xf32>
    %slice3A_691 = vector.extract_strided_slice %convert_element_type3A_610 {offsets = [0, 0], sizes = [5007, 1], strides = [1, 1]} : vector<5008x1xf32> to vector<5007x1xf32>
    %concatenate3A_692 = tpu.concatenate %broadcast_in_dim3A_690, %slice3A_691 in 0 : vector<1x1xf32>, vector<5007x1xf32> -> vector<5008x1xf32>
    %add3A_693 = arith.addf %convert_element_type3A_610, %concatenate3A_692 : vector<5008x1xf32>
    %broadcast_in_dim3A_694 = arith.constant 0.000000e+00 : f32
    %broadcast_in_dim3A_695 = vector.broadcast %broadcast_in_dim3A_694 : f32 to vector<2x1xf32>
    %slice3A_696 = vector.extract_strided_slice %add3A_693 {offsets = [0, 0], sizes = [5006, 1], strides = [1, 1]} : vector<5008x1xf32> to vector<5006x1xf32>
    %concatenate3A_697 = tpu.concatenate %broadcast_in_dim3A_695, %slice3A_696 in 0 : vector<2x1xf32>, vector<5006x1xf32> -> vector<5008x1xf32>
    %add3A_698 = arith.addf %add3A_693, %concatenate3A_697 : vector<5008x1xf32>
    %broadcast_in_dim3A_699 = arith.constant 0.000000e+00 : f32
    %broadcast_in_dim3A_700 = vector.broadcast %broadcast_in_dim3A_699 : f32 to vector<4x1xf32>
    %slice3A_701 = vector.extract_strided_slice %add3A_698 {offsets = [0, 0], sizes = [5004, 1], strides = [1, 1]} : vector<5008x1xf32> to vector<5004x1xf32>
    %concatenate3A_702 = tpu.concatenate %broadcast_in_dim3A_700, %slice3A_701 in 0 : vector<4x1xf32>, vector<5004x1xf32> -> vector<5008x1xf32>
    %add3A_703 = arith.addf %add3A_698, %concatenate3A_702 : vector<5008x1xf32>
    %broadcast_in_dim3A_704 = arith.constant 0.000000e+00 : f32
    %broadcast_in_dim3A_705 = vector.broadcast %broadcast_in_dim3A_704 : f32 to vector<8x1xf32>
    %slice3A_706 = vector.extract_strided_slice %add3A_703 {offsets = [0, 0], sizes = [5000, 1], strides = [1, 1]} : vector<5008x1xf32> to vector<5000x1xf32>
    %concatenate3A_707 = tpu.concatenate %broadcast_in_dim3A_705, %slice3A_706 in 0 : vector<8x1xf32>, vector<5000x1xf32> -> vector<5008x1xf32>
    %add3A_708 = arith.addf %add3A_703, %concatenate3A_707 : vector<5008x1xf32>
    %broadcast_in_dim3A_709 = arith.constant 0.000000e+00 : f32
    %broadcast_in_dim3A_710 = vector.broadcast %broadcast_in_dim3A_709 : f32 to vector<16x1xf32>
    %slice3A_711 = vector.extract_strided_slice %add3A_708 {offsets = [0, 0], sizes = [4992, 1], strides = [1, 1]} : vector<5008x1xf32> to vector<4992x1xf32>
    %concatenate3A_712 = tpu.concatenate %broadcast_in_dim3A_710, %slice3A_711 in 0 : vector<16x1xf32>, vector<4992x1xf32> -> vector<5008x1xf32>
    %add3A_713 = arith.addf %add3A_708, %concatenate3A_712 : vector<5008x1xf32>
    %broadcast_in_dim3A_714 = arith.constant 0.000000e+00 : f32
    %broadcast_in_dim3A_715 = vector.broadcast %broadcast_in_dim3A_714 : f32 to vector<32x1xf32>
    %slice3A_716 = vector.extract_strided_slice %add3A_713 {offsets = [0, 0], sizes = [4976, 1], strides = [1, 1]} : vector<5008x1xf32> to vector<4976x1xf32>
    %concatenate3A_717 = tpu.concatenate %broadcast_in_dim3A_715, %slice3A_716 in 0 : vector<32x1xf32>, vector<4976x1xf32> -> vector<5008x1xf32>
    %add3A_718 = arith.addf %add3A_713, %concatenate3A_717 : vector<5008x1xf32>
    %broadcast_in_dim3A_719 = arith.constant 0.000000e+00 : f32
    %broadcast_in_dim3A_720 = vector.broadcast %broadcast_in_dim3A_719 : f32 to vector<64x1xf32>
    %slice3A_721 = vector.extract_strided_slice %add3A_718 {offsets = [0, 0], sizes = [4944, 1], strides = [1, 1]} : vector<5008x1xf32> to vector<4944x1xf32>
    %concatenate3A_722 = tpu.concatenate %broadcast_in_dim3A_720, %slice3A_721 in 0 : vector<64x1xf32>, vector<4944x1xf32> -> vector<5008x1xf32>
    %add3A_723 = arith.addf %add3A_718, %concatenate3A_722 : vector<5008x1xf32>
    %broadcast_in_dim3A_724 = arith.constant 0.000000e+00 : f32
    %broadcast_in_dim3A_725 = vector.broadcast %broadcast_in_dim3A_724 : f32 to vector<128x1xf32>
    %slice3A_726 = vector.extract_strided_slice %add3A_723 {offsets = [0, 0], sizes = [4880, 1], strides = [1, 1]} : vector<5008x1xf32> to vector<4880x1xf32>
    %concatenate3A_727 = tpu.concatenate %broadcast_in_dim3A_725, %slice3A_726 in 0 : vector<128x1xf32>, vector<4880x1xf32> -> vector<5008x1xf32>
    %add3A_728 = arith.addf %add3A_723, %concatenate3A_727 : vector<5008x1xf32>
    %broadcast_in_dim3A_729 = arith.constant 0.000000e+00 : f32
    %broadcast_in_dim3A_730 = vector.broadcast %broadcast_in_dim3A_729 : f32 to vector<256x1xf32>
    %slice3A_731 = vector.extract_strided_slice %add3A_728 {offsets = [0, 0], sizes = [4752, 1], strides = [1, 1]} : vector<5008x1xf32> to vector<4752x1xf32>
    %concatenate3A_732 = tpu.concatenate %broadcast_in_dim3A_730, %slice3A_731 in 0 : vector<256x1xf32>, vector<4752x1xf32> -> vector<5008x1xf32>
    %add3A_733 = arith.addf %add3A_728, %concatenate3A_732 : vector<5008x1xf32>
    %broadcast_in_dim3A_734 = arith.constant 0.000000e+00 : f32
    %broadcast_in_dim3A_735 = vector.broadcast %broadcast_in_dim3A_734 : f32 to vector<512x1xf32>
    %slice3A_736 = vector.extract_strided_slice %add3A_733 {offsets = [0, 0], sizes = [4496, 1], strides = [1, 1]} : vector<5008x1xf32> to vector<4496x1xf32>
    %concatenate3A_737 = tpu.concatenate %broadcast_in_dim3A_735, %slice3A_736 in 0 : vector<512x1xf32>, vector<4496x1xf32> -> vector<5008x1xf32>
    %add3A_738 = arith.addf %add3A_733, %concatenate3A_737 : vector<5008x1xf32>
    %broadcast_in_dim3A_739 = arith.constant 0.000000e+00 : f32
    %broadcast_in_dim3A_740 = vector.broadcast %broadcast_in_dim3A_739 : f32 to vector<1024x1xf32>
    %slice3A_741 = vector.extract_strided_slice %add3A_738 {offsets = [0, 0], sizes = [3984, 1], strides = [1, 1]} : vector<5008x1xf32> to vector<3984x1xf32>
    %concatenate3A_742 = tpu.concatenate %broadcast_in_dim3A_740, %slice3A_741 in 0 : vector<1024x1xf32>, vector<3984x1xf32> -> vector<5008x1xf32>
    %add3A_743 = arith.addf %add3A_738, %concatenate3A_742 : vector<5008x1xf32>
    %broadcast_in_dim3A_744 = arith.constant 0.000000e+00 : f32
    %broadcast_in_dim3A_745 = vector.broadcast %broadcast_in_dim3A_744 : f32 to vector<2048x1xf32>
    %slice3A_746 = vector.extract_strided_slice %add3A_743 {offsets = [0, 0], sizes = [2960, 1], strides = [1, 1]} : vector<5008x1xf32> to vector<2960x1xf32>
    %concatenate3A_747 = tpu.concatenate %broadcast_in_dim3A_745, %slice3A_746 in 0 : vector<2048x1xf32>, vector<2960x1xf32> -> vector<5008x1xf32>
    %add3A_748 = arith.addf %add3A_743, %concatenate3A_747 : vector<5008x1xf32>
    %broadcast_in_dim3A_749 = arith.constant 0.000000e+00 : f32
    %broadcast_in_dim3A_750 = vector.broadcast %broadcast_in_dim3A_749 : f32 to vector<4096x1xf32>
    %slice3A_751 = vector.extract_strided_slice %add3A_748 {offsets = [0, 0], sizes = [912, 1], strides = [1, 1]} : vector<5008x1xf32> to vector<912x1xf32>
    %concatenate3A_752 = tpu.concatenate %broadcast_in_dim3A_750, %slice3A_751 in 0 : vector<4096x1xf32>, vector<912x1xf32> -> vector<5008x1xf32>
    %add3A_753 = arith.addf %add3A_748, %concatenate3A_752 : vector<5008x1xf32>
    %sub3A_754 = arith.subf %add3A_753, %convert_element_type3A_610 : vector<5008x1xf32>
    %iota3A_755 = tpu.iota {dimensions = array<i32: 1>} : vector<5008x128xi32>
    %convert_element_type3A_756 = arith.sitofp %iota3A_755 : vector<5008x128xi32> to vector<5008x128xf32>
    %iota3A_757 = tpu.iota {dimensions = array<i32: 0>} : vector<5008x128xi32>
    %convert_element_type3A_758 = arith.sitofp %iota3A_757 : vector<5008x128xi32> to vector<5008x128xf32>
    %gt3A = arith.constant 0.000000e+00 : f32
    %gt3A_759 = vector.broadcast %gt3A : f32 to vector<5008x1xf32>
    %gt3A_760 = arith.cmpf ogt, %convert_element_type3A_602, %gt3A_759 : vector<5008x1xf32>
    %eq3A_761 = vector.broadcast %sub3A_688 : vector<5008x1xf32> to vector<5008x128xf32>
    %eq3A_762 = arith.cmpf oeq, %eq3A_761, %convert_element_type3A_756 : vector<5008x128xf32>
    %and3A_763 = vector.broadcast %gt3A_760 : vector<5008x1xi1> to vector<5008x128xi1>
    %and3A_764 = arith.andi %and3A_763, %eq3A_762 : vector<5008x128xi1>
    %jit3A_765 = arith.constant 0.000000e+00 : f32
    %broadcast_in_dim3A_766 = vector.broadcast %jit3A_765 : f32 to vector<5008x128xf32>
    %select_n3A_767 = arith.select %and3A_764, %convert_element_type3A_758, %broadcast_in_dim3A_766 : vector<5008x128xi1>, vector<5008x128xf32>
    %reduce_sum3A_768 = arith.constant dense<0.000000e+00> : vector<128xf32>
    %reduce_sum3A_769 = vector.multi_reduction <add>, %select_n3A_767, %reduce_sum3A_768 [0] : vector<5008x128xf32> to vector<128xf32>
    %broadcast_in_dim3A_770 = vector.shape_cast %reduce_sum3A_769 : vector<128xf32> to vector<1x128xf32>
    %gt3A_771 = arith.constant 0.000000e+00 : f32
    %gt3A_772 = vector.broadcast %gt3A_771 : f32 to vector<5008x1xf32>
    %gt3A_773 = arith.cmpf ogt, %convert_element_type3A_610, %gt3A_772 : vector<5008x1xf32>
    %eq3A_774 = vector.broadcast %sub3A_754 : vector<5008x1xf32> to vector<5008x128xf32>
    %eq3A_775 = arith.cmpf oeq, %eq3A_774, %convert_element_type3A_756 : vector<5008x128xf32>
    %and3A_776 = vector.broadcast %gt3A_773 : vector<5008x1xi1> to vector<5008x128xi1>
    %and3A_777 = arith.andi %and3A_776, %eq3A_775 : vector<5008x128xi1>
    %jit3A_778 = arith.constant 0.000000e+00 : f32
    %broadcast_in_dim3A_779 = vector.broadcast %jit3A_778 : f32 to vector<5008x128xf32>
    %select_n3A_780 = arith.select %and3A_777, %convert_element_type3A_758, %broadcast_in_dim3A_779 : vector<5008x128xi1>, vector<5008x128xf32>
    %reduce_sum3A_781 = arith.constant dense<0.000000e+00> : vector<128xf32>
    %reduce_sum3A_782 = vector.multi_reduction <add>, %select_n3A_780, %reduce_sum3A_781 [0] : vector<5008x128xf32> to vector<128xf32>
    %broadcast_in_dim3A_783 = vector.shape_cast %reduce_sum3A_782 : vector<128xf32> to vector<1x128xf32>
    %iota3A_784 = tpu.iota {dimensions = array<i32: 0>} : vector<128x1xi32>
    %convert_element_type3A_785 = arith.sitofp %iota3A_784 : vector<128x1xi32> to vector<128x1xf32>
    %gt3A_786 = arith.constant 0.000000e+00 : f32
    %gt3A_787 = vector.broadcast %gt3A_786 : f32 to vector<1x1xf32>
    %gt3A_788 = arith.cmpf ogt, %broadcast_in_dim3A_616, %gt3A_787 : vector<1x1xf32>
    %gt3A_789 = arith.constant 0.000000e+00 : f32
    %gt3A_790 = vector.broadcast %gt3A_789 : f32 to vector<1x1xf32>
    %gt3A_791 = arith.cmpf ogt, %broadcast_in_dim3A_622, %gt3A_790 : vector<1x1xf32>
    %and3A_792 = arith.andi %gt3A_788, %gt3A_791 : vector<1x1xi1>
    %gt3A_793 = arith.constant 0.000000e+00 : f32
    %gt3A_794 = vector.broadcast %gt3A_793 : f32 to vector<1x1xf32>
    %gt3A_795 = arith.cmpf ogt, %broadcast_in_dim3A_616, %gt3A_794 : vector<1x1xf32>
    %eq3A_796 = arith.constant 0.000000e+00 : f32
    %eq3A_797 = vector.broadcast %eq3A_796 : f32 to vector<1x1xf32>
    %eq3A_798 = arith.cmpf oeq, %broadcast_in_dim3A_622, %eq3A_797 : vector<1x1xf32>
    %and3A_799 = arith.andi %gt3A_795, %eq3A_798 : vector<1x1xi1>
    %eq3A_800 = arith.constant 0.000000e+00 : f32
    %eq3A_801 = vector.broadcast %eq3A_800 : f32 to vector<1x1xf32>
    %eq3A_802 = arith.cmpf oeq, %broadcast_in_dim3A_616, %eq3A_801 : vector<1x1xf32>
    %gt3A_803 = arith.constant 0.000000e+00 : f32
    %gt3A_804 = vector.broadcast %gt3A_803 : f32 to vector<1x1xf32>
    %gt3A_805 = arith.cmpf ogt, %broadcast_in_dim3A_622, %gt3A_804 : vector<1x1xf32>
    %and3A_806 = arith.andi %eq3A_802, %gt3A_805 : vector<1x1xi1>
    %min3A_807 = arith.constant 3.200000e+01 : f32
    %min3A_808 = vector.broadcast %min3A_807 : f32 to vector<1x1xf32>
    %min3A_809 = arith.minimumf %min3A_808, %broadcast_in_dim3A_616 : vector<1x1xf32>
    %jit3A_810 = arith.constant 1.280000e+02 : f32
    %jit3A_811 = arith.constant 0.000000e+00 : f32
    %broadcast_in_dim3A_812 = vector.broadcast %jit3A_810 : f32 to vector<1x1xf32>
    %broadcast_in_dim3A_813 = vector.broadcast %jit3A_811 : f32 to vector<1x1xf32>
    %select_n3A_814 = arith.select %and3A_799, %broadcast_in_dim3A_812, %broadcast_in_dim3A_813 : vector<1x1xi1>, vector<1x1xf32>
    %select_n3A_815 = arith.select %and3A_792, %min3A_809, %select_n3A_814 : vector<1x1xi1>, vector<1x1xf32>
    %iota3A_816 = tpu.iota {dimensions = array<i32: 1>} : vector<128x128xi32>
    %convert_element_type3A_817 = arith.sitofp %iota3A_816 : vector<128x128xi32> to vector<128x128xf32>
    %lt3A_818 = vector.broadcast %select_n3A_815 : vector<1x1xf32> to vector<128x1xf32>
    %lt3A_819 = arith.cmpf olt, %convert_element_type3A_785, %lt3A_818 : vector<128x1xf32>
    %sub3A_820 = arith.constant 1.000000e+00 : f32
    %sub3A_821 = vector.broadcast %sub3A_820 : f32 to vector<1x1xf32>
    %sub3A_822 = arith.subf %broadcast_in_dim3A_616, %sub3A_821 : vector<1x1xf32>
    %max3A_823 = arith.constant 0.000000e+00 : f32
    %max3A_824 = vector.broadcast %max3A_823 : f32 to vector<1x1xf32>
    %max3A_825 = arith.maximumf %sub3A_822, %max3A_824 : vector<1x1xf32>
    %min3A_826 = vector.broadcast %max3A_825 : vector<1x1xf32> to vector<128x1xf32>
    %min3A_827 = arith.minimumf %convert_element_type3A_785, %min3A_826 : vector<128x1xf32>
    %eq3A_828 = vector.broadcast %min3A_827 : vector<128x1xf32> to vector<128x128xf32>
    %eq3A_829 = arith.cmpf oeq, %eq3A_828, %convert_element_type3A_817 : vector<128x128xf32>
    %jit3A_830 = arith.constant 0.000000e+00 : f32
    %broadcast_in_dim3A_831 = vector.shape_cast %broadcast_in_dim3A_770 : vector<1x128xf32> to vector<1x128xf32>
    %broadcast_in_dim3A_832 = vector.broadcast %broadcast_in_dim3A_831 : vector<1x128xf32> to vector<128x128xf32>
    %broadcast_in_dim3A_833 = vector.broadcast %jit3A_830 : f32 to vector<128x128xf32>
    %select_n3A_834 = arith.select %eq3A_829, %broadcast_in_dim3A_832, %broadcast_in_dim3A_833 : vector<128x128xi1>, vector<128x128xf32>
    %reduce_sum3A_835 = arith.constant dense<0.000000e+00> : vector<128xf32>
    %reduce_sum3A_836 = vector.multi_reduction <add>, %select_n3A_834, %reduce_sum3A_835 [1] : vector<128x128xf32> to vector<128xf32>
    %broadcast_in_dim3A_837 = vector.shape_cast %reduce_sum3A_836 : vector<128xf32> to vector<128x1xf32>
    %sub3A_838 = vector.broadcast %select_n3A_815 : vector<1x1xf32> to vector<128x1xf32>
    %sub3A_839 = arith.subf %convert_element_type3A_785, %sub3A_838 : vector<128x1xf32>
    %max3A_840 = arith.constant 0.000000e+00 : f32
    %max3A_841 = vector.broadcast %max3A_840 : f32 to vector<128x1xf32>
    %max3A_842 = arith.maximumf %sub3A_839, %max3A_841 : vector<128x1xf32>
    %max3A_843 = arith.constant 1.000000e+00 : f32
    %max3A_844 = vector.broadcast %max3A_843 : f32 to vector<1x1xf32>
    %max3A_845 = arith.maximumf %broadcast_in_dim3A_622, %max3A_844 : vector<1x1xf32>
    %div3A_846 = vector.broadcast %max3A_845 : vector<1x1xf32> to vector<128x1xf32>
    %div3A_847 = arith.divf %max3A_842, %div3A_846 : vector<128x1xf32>
    %floor3A = math.floor %div3A_847 : vector<128x1xf32>
    %mul3A_848 = vector.broadcast %max3A_845 : vector<1x1xf32> to vector<128x1xf32>
    %mul3A_849 = arith.mulf %floor3A, %mul3A_848 : vector<128x1xf32>
    %sub3A_850 = arith.subf %max3A_842, %mul3A_849 : vector<128x1xf32>
    %eq3A_851 = vector.broadcast %sub3A_850 : vector<128x1xf32> to vector<128x128xf32>
    %eq3A_852 = arith.cmpf oeq, %eq3A_851, %convert_element_type3A_817 : vector<128x128xf32>
    %jit3A_853 = arith.constant 0.000000e+00 : f32
    %broadcast_in_dim3A_854 = vector.shape_cast %broadcast_in_dim3A_783 : vector<1x128xf32> to vector<1x128xf32>
    %broadcast_in_dim3A_855 = vector.broadcast %broadcast_in_dim3A_854 : vector<1x128xf32> to vector<128x128xf32>
    %broadcast_in_dim3A_856 = vector.broadcast %jit3A_853 : f32 to vector<128x128xf32>
    %select_n3A_857 = arith.select %eq3A_852, %broadcast_in_dim3A_855, %broadcast_in_dim3A_856 : vector<128x128xi1>, vector<128x128xf32>
    %reduce_sum3A_858 = arith.constant dense<0.000000e+00> : vector<128xf32>
    %reduce_sum3A_859 = vector.multi_reduction <add>, %select_n3A_857, %reduce_sum3A_858 [1] : vector<128x128xf32> to vector<128xf32>
    %broadcast_in_dim3A_860 = vector.shape_cast %reduce_sum3A_859 : vector<128xf32> to vector<128x1xf32>
    %select_n3A_861 = arith.select %lt3A_819, %broadcast_in_dim3A_837, %broadcast_in_dim3A_860 : vector<128x1xi1>, vector<128x1xf32>
    %max3A_862 = arith.constant 1.000000e+00 : f32
    %max3A_863 = vector.broadcast %max3A_862 : f32 to vector<1x1xf32>
    %max3A_864 = arith.maximumf %broadcast_in_dim3A_616, %max3A_863 : vector<1x1xf32>
    %div3A_865 = vector.broadcast %max3A_864 : vector<1x1xf32> to vector<128x1xf32>
    %div3A_866 = arith.divf %convert_element_type3A_785, %div3A_865 : vector<128x1xf32>
    %floor3A_867 = math.floor %div3A_866 : vector<128x1xf32>
    %mul3A_868 = vector.broadcast %max3A_864 : vector<1x1xf32> to vector<128x1xf32>
    %mul3A_869 = arith.mulf %floor3A_867, %mul3A_868 : vector<128x1xf32>
    %sub3A_870 = arith.subf %convert_element_type3A_785, %mul3A_869 : vector<128x1xf32>
    %eq3A_871 = vector.broadcast %sub3A_870 : vector<128x1xf32> to vector<128x128xf32>
    %eq3A_872 = arith.cmpf oeq, %eq3A_871, %convert_element_type3A_817 : vector<128x128xf32>
    %jit3A_873 = arith.constant 0.000000e+00 : f32
    %broadcast_in_dim3A_874 = vector.shape_cast %broadcast_in_dim3A_770 : vector<1x128xf32> to vector<1x128xf32>
    %broadcast_in_dim3A_875 = vector.broadcast %broadcast_in_dim3A_874 : vector<1x128xf32> to vector<128x128xf32>
    %broadcast_in_dim3A_876 = vector.broadcast %jit3A_873 : f32 to vector<128x128xf32>
    %select_n3A_877 = arith.select %eq3A_872, %broadcast_in_dim3A_875, %broadcast_in_dim3A_876 : vector<128x128xi1>, vector<128x128xf32>
    %reduce_sum3A_878 = arith.constant dense<0.000000e+00> : vector<128xf32>
    %reduce_sum3A_879 = vector.multi_reduction <add>, %select_n3A_877, %reduce_sum3A_878 [1] : vector<128x128xf32> to vector<128xf32>
    %broadcast_in_dim3A_880 = vector.shape_cast %reduce_sum3A_879 : vector<128xf32> to vector<128x1xf32>
    %max3A_881 = arith.constant 1.000000e+00 : f32
    %max3A_882 = vector.broadcast %max3A_881 : f32 to vector<1x1xf32>
    %max3A_883 = arith.maximumf %broadcast_in_dim3A_622, %max3A_882 : vector<1x1xf32>
    %div3A_884 = vector.broadcast %max3A_883 : vector<1x1xf32> to vector<128x1xf32>
    %div3A_885 = arith.divf %convert_element_type3A_785, %div3A_884 : vector<128x1xf32>
    %floor3A_886 = math.floor %div3A_885 : vector<128x1xf32>
    %mul3A_887 = vector.broadcast %max3A_883 : vector<1x1xf32> to vector<128x1xf32>
    %mul3A_888 = arith.mulf %floor3A_886, %mul3A_887 : vector<128x1xf32>
    %sub3A_889 = arith.subf %convert_element_type3A_785, %mul3A_888 : vector<128x1xf32>
    %eq3A_890 = vector.broadcast %sub3A_889 : vector<128x1xf32> to vector<128x128xf32>
    %eq3A_891 = arith.cmpf oeq, %eq3A_890, %convert_element_type3A_817 : vector<128x128xf32>
    %jit3A_892 = arith.constant 0.000000e+00 : f32
    %broadcast_in_dim3A_893 = vector.shape_cast %broadcast_in_dim3A_783 : vector<1x128xf32> to vector<1x128xf32>
    %broadcast_in_dim3A_894 = vector.broadcast %broadcast_in_dim3A_893 : vector<1x128xf32> to vector<128x128xf32>
    %broadcast_in_dim3A_895 = vector.broadcast %jit3A_892 : f32 to vector<128x128xf32>
    %select_n3A_896 = arith.select %eq3A_891, %broadcast_in_dim3A_894, %broadcast_in_dim3A_895 : vector<128x128xi1>, vector<128x128xf32>
    %reduce_sum3A_897 = arith.constant dense<0.000000e+00> : vector<128xf32>
    %reduce_sum3A_898 = vector.multi_reduction <add>, %select_n3A_896, %reduce_sum3A_897 [1] : vector<128x128xf32> to vector<128xf32>
    %broadcast_in_dim3A_899 = vector.shape_cast %reduce_sum3A_898 : vector<128xf32> to vector<128x1xf32>
    %broadcast_in_dim3A_900 = vector.shape_cast %and3A_799 : vector<1x1xi1> to vector<1x1xi1>
    %broadcast_in_dim3A_901 = vector.broadcast %broadcast_in_dim3A_900 : vector<1x1xi1> to vector<128x1xi1>
    %select_n3A_902 = arith.select %broadcast_in_dim3A_901, %broadcast_in_dim3A_880, %broadcast_in_dim3A_899 : vector<128x1xi1>, vector<128x1xf32>
    %broadcast_in_dim3A_903 = vector.shape_cast %and3A_792 : vector<1x1xi1> to vector<1x1xi1>
    %broadcast_in_dim3A_904 = vector.broadcast %broadcast_in_dim3A_903 : vector<1x1xi1> to vector<128x1xi1>
    %select_n3A_905 = arith.select %broadcast_in_dim3A_904, %select_n3A_861, %select_n3A_902 : vector<128x1xi1>, vector<128x1xf32>
    %reduce_max3A_906 = vector.shape_cast %select_n3A_588 : vector<8x1xf32> to vector<1x8x1xf32>
    %reduce_max3A_907 = arith.constant dense<0xFF800000> : vector<1xf32>
    %reduce_max3A_908 = vector.multi_reduction <maximumf>, %reduce_max3A_906, %reduce_max3A_907 [1, 2] : vector<1x8x1xf32> to vector<1xf32>
    %reduce_max3A_909 = vector.shape_cast %reduce_max3A_908 : vector<1xf32> to vector<1x1x1xf32>
    %reduce_max3A_910 = vector.extract %reduce_max3A_909[0, 0, 0] : f32 from vector<1x1x1xf32>
    %broadcast_in_dim3A_911 = vector.broadcast %reduce_max3A_910 : f32 to vector<1x1xf32>
    %gt3A_912 = arith.constant 0.000000e+00 : f32
    %gt3A_913 = vector.broadcast %gt3A_912 : f32 to vector<1x1xf32>
    %gt3A_914 = arith.cmpf ogt, %broadcast_in_dim3A_911, %gt3A_913 : vector<1x1xf32>
    %or3A_915 = arith.ori %and3A_792, %and3A_799 : vector<1x1xi1>
    %or3A_916 = arith.ori %or3A_915, %and3A_806 : vector<1x1xi1>
    %and3A_917 = arith.andi %or3A_916, %gt3A_914 : vector<1x1xi1>
    %convert_element_type3A_918 = arith.extui %and3A_917 : vector<1x1xi1> to vector<1x1xi32>
    %convert_element_type3A_919 = arith.sitofp %convert_element_type3A_918 : vector<1x1xi32> to vector<1x1xf32>
    %iota3A_920 = tpu.iota {dimensions = array<i32: 1>} : vector<128x5008xi32>
    %convert_element_type3A_921 = arith.sitofp %iota3A_920 : vector<128x5008xi32> to vector<128x5008xf32>
    %eq3A_922 = vector.broadcast %select_n3A_905 : vector<128x1xf32> to vector<128x5008xf32>
    %eq3A_923 = arith.cmpf oeq, %eq3A_922, %convert_element_type3A_921 : vector<128x5008xf32>
    %convert_element_type3A_924 = arith.extui %eq3A_923 : vector<128x5008xi1> to vector<128x5008xi32>
    %convert_element_type3A_925 = arith.sitofp %convert_element_type3A_924 : vector<128x5008xi32> to vector<128x5008xf32>
    %dot_general3A = arith.constant dense<0.000000e+00> : vector<128x1xf32>
    %dot_general3A_926 = tpu.matmul %convert_element_type3A_925, %broadcast_in_dim3A_557, %dot_general3A {dimension_numbers = #tpu.dot_dimension_numbers<[1], [0], [0], [1], [0, 0, 1, 1], [], []>, precision = #tpu.contract_precision<fp32>, transpose_lhs_hint = false} : vector<128x5008xf32>, vector<5008x1xf32>, vector<128x1xf32> -> vector<128x1xf32>
    %iota3A_927 = tpu.iota {dimensions = array<i32: 1>} : vector<128x8xi32>
    %convert_element_type3A_928 = arith.sitofp %iota3A_927 : vector<128x8xi32> to vector<128x8xf32>
    %eq3A_929 = vector.broadcast %dot_general3A_926 : vector<128x1xf32> to vector<128x8xf32>
    %eq3A_930 = arith.cmpf oeq, %eq3A_929, %convert_element_type3A_928 : vector<128x8xf32>
    %convert_element_type3A_931 = arith.extui %eq3A_930 : vector<128x8xi1> to vector<128x8xi32>
    %convert_element_type3A_932 = arith.sitofp %convert_element_type3A_931 : vector<128x8xi32> to vector<128x8xf32>
    %dot_general3A_933 = arith.constant dense<0.000000e+00> : vector<128x1xf32>
    %dot_general3A_934 = tpu.matmul %convert_element_type3A_932, %select_n3A_588, %dot_general3A_933 {dimension_numbers = #tpu.dot_dimension_numbers<[1], [0], [0], [1], [0, 0, 1, 1], [], []>, precision = #tpu.contract_precision<fp32>, transpose_lhs_hint = false} : vector<128x8xf32>, vector<8x1xf32>, vector<128x1xf32> -> vector<128x1xf32>
    %lt3A_935 = vector.broadcast %select_n3A_815 : vector<1x1xf32> to vector<128x1xf32>
    %lt3A_936 = arith.cmpf olt, %convert_element_type3A_785, %lt3A_935 : vector<128x1xf32>
    %jit3A_937 = arith.constant 0.000000e+00 : f32
    %broadcast_in_dim3A_938 = vector.broadcast %jit3A_937 : f32 to vector<128x1xf32>
    %select_n3A_939 = arith.select %lt3A_936, %dot_general3A_934, %broadcast_in_dim3A_938 : vector<128x1xi1>, vector<128x1xf32>
    %jit3A_940 = arith.constant 0.000000e+00 : f32
    %broadcast_in_dim3A_941 = vector.shape_cast %and3A_917 : vector<1x1xi1> to vector<1x1xi1>
    %broadcast_in_dim3A_942 = vector.broadcast %broadcast_in_dim3A_941 : vector<1x1xi1> to vector<128x1xi1>
    %broadcast_in_dim3A_943 = vector.broadcast %jit3A_940 : f32 to vector<128x1xf32>
    %select_n3A_944 = arith.select %broadcast_in_dim3A_942, %select_n3A_939, %broadcast_in_dim3A_943 : vector<128x1xi1>, vector<128x1xf32>
    %swap3A_945 = arith.constant 0 : index
    %swap3A_946 = arith.constant 0 : index
    %swap3A_947 = arith.constant 0 : index
    %swap3A_948 = vector.load %arg9[%swap3A_945, %swap3A_946, %swap3A_947] : memref<1x128x1xf32, #tpu.memory_space<vmem>>, vector<1x128x1xf32>
    %swap3A_949 = vector.shape_cast %swap3A_948 : vector<1x128x1xf32> to vector<128x1xf32>
    %swap3A_950 = vector.shape_cast %select_n3A_905 : vector<128x1xf32> to vector<1x128x1xf32>
    tpu.vector_store %arg9[%swap3A_945, %swap3A_946, %swap3A_947], %swap3A_950 {strides = array<i32>} : memref<1x128x1xf32, #tpu.memory_space<vmem>>, vector<1x128x1xf32>,
    %swap3A_951 = arith.constant 0 : index
    %swap3A_952 = arith.constant 0 : index
    %swap3A_953 = arith.constant 0 : index
    %swap3A_954 = vector.load %arg10[%swap3A_951, %swap3A_952, %swap3A_953] : memref<1x128x1xf32, #tpu.memory_space<vmem>>, vector<1x128x1xf32>
    %swap3A_955 = vector.shape_cast %swap3A_954 : vector<1x128x1xf32> to vector<128x1xf32>
    %swap3A_956 = vector.shape_cast %dot_general3A_926 : vector<128x1xf32> to vector<1x128x1xf32>
    tpu.vector_store %arg10[%swap3A_951, %swap3A_952, %swap3A_953], %swap3A_956 {strides = array<i32>} : memref<1x128x1xf32, #tpu.memory_space<vmem>>, vector<1x128x1xf32>,
    %swap3A_957 = arith.constant 0 : index
    %swap3A_958 = arith.constant 0 : index
    %swap3A_959 = arith.constant 0 : index
    %swap3A_960 = vector.load %arg11[%swap3A_957, %swap3A_958, %swap3A_959] : memref<1x128x1xf32, #tpu.memory_space<vmem>>, vector<1x128x1xf32>
    %swap3A_961 = vector.shape_cast %swap3A_960 : vector<1x128x1xf32> to vector<128x1xf32>
    %swap3A_962 = vector.shape_cast %select_n3A_944 : vector<128x1xf32> to vector<1x128x1xf32>
    tpu.vector_store %arg11[%swap3A_957, %swap3A_958, %swap3A_959], %swap3A_962 {strides = array<i32>} : memref<1x128x1xf32, #tpu.memory_space<vmem>>, vector<1x128x1xf32>,
    %broadcast_in_dim3A_963 = arith.constant 1.000000e+00 : f32
    %broadcast_in_dim3A_964 = vector.broadcast %broadcast_in_dim3A_963 : f32 to vector<1x16xf32>
    %mul3A_965 = vector.broadcast %convert_element_type3A_919 : vector<1x1xf32> to vector<1x16xf32>
    %mul3A_966 = arith.mulf %mul3A_965, %broadcast_in_dim3A_964 : vector<1x16xf32>
    %swap3A_967 = arith.constant 0 : index
    %swap3A_968 = arith.constant 0 : index
    %swap3A_969 = arith.constant 0 : index
    %swap3A_970 = vector.load %arg12[%swap3A_967, %swap3A_968, %swap3A_969] : memref<1x1x16xf32, #tpu.memory_space<vmem>>, vector<1x1x16xf32>
    %swap3A_971 = vector.shape_cast %swap3A_970 : vector<1x1x16xf32> to vector<1x16xf32>
    %swap3A_972 = vector.shape_cast %mul3A_966 : vector<1x16xf32> to vector<1x1x16xf32>
    tpu.vector_store %arg12[%swap3A_967, %swap3A_968, %swap3A_969], %swap3A_972 {strides = array<i32>} : memref<1x1x16xf32, #tpu.memory_space<vmem>>, vector<1x1x16xf32>,
    return
  }
  func.func @transform_0(%arg0: i32) -> (i32, i32, i32) {
    %c0_i32 = arith.constant 0 : i32
    %c0_i32_0 = arith.constant 0 : i32
    %c0_i32_1 = arith.constant 0 : i32
    return %arg0, %c0_i32, %c0_i32_0 : i32, i32, i32
  }
  func.func @transform_1(%arg0: i32) -> (i32, i32, i32) {
    %c0_i32 = arith.constant 0 : i32
    %c0_i32_0 = arith.constant 0 : i32
    %c0_i32_1 = arith.constant 0 : i32
    return %arg0, %c0_i32, %c0_i32_0 : i32, i32, i32
  }
  func.func @transform_2(%arg0: i32) -> (i32, i32, i32) {
    %c0_i32 = arith.constant 0 : i32
    %c0_i32_0 = arith.constant 0 : i32
    %c0_i32_1 = arith.constant 0 : i32
    return %arg0, %c0_i32, %c0_i32_0 : i32, i32, i32
  }
  func.func @transform_3(%arg0: i32) -> (i32, i32, i32) {
    %c0_i32 = arith.constant 0 : i32
    %c0_i32_0 = arith.constant 0 : i32
    %c0_i32_1 = arith.constant 0 : i32
    return %arg0, %c0_i32, %c0_i32_0 : i32, i32, i32
  }
  func.func @transform_4(%arg0: i32) -> (i32, i32, i32) {
    %c0_i32 = arith.constant 0 : i32
    %c0_i32_0 = arith.constant 0 : i32
    %c0_i32_1 = arith.constant 0 : i32
    return %arg0, %c0_i32, %c0_i32_0 : i32, i32, i32
  }
  func.func @transform_5(%arg0: i32) -> (i32, i32, i32) {
    %c0_i32 = arith.constant 0 : i32
    %c0_i32_0 = arith.constant 0 : i32
    %c0_i32_1 = arith.constant 0 : i32
    return %arg0, %c0_i32, %c0_i32_0 : i32, i32, i32
  }
  func.func @transform_6(%arg0: i32) -> (i32, i32, i32) {
    %c0_i32 = arith.constant 0 : i32
    %c0_i32_0 = arith.constant 0 : i32
    %c0_i32_1 = arith.constant 0 : i32
    return %arg0, %c0_i32, %c0_i32_0 : i32, i32, i32
  }
  func.func @transform_7(%arg0: i32) -> (i32, i32, i32) {
    %c0_i32 = arith.constant 0 : i32
    %c0_i32_0 = arith.constant 0 : i32
    %c0_i32_1 = arith.constant 0 : i32
    return %arg0, %c0_i32, %c0_i32_0 : i32, i32, i32
  }
  func.func @transform_8(%arg0: i32) -> (i32, i32, i32) {
    %c0_i32 = arith.constant 0 : i32
    %c0_i32_0 = arith.constant 0 : i32
    %c0_i32_1 = arith.constant 0 : i32
    return %arg0, %c0_i32, %c0_i32_0 : i32, i32, i32
  }
  func.func @transform_9(%arg0: i32) -> (i32, i32, i32) {
    %c0_i32 = arith.constant 0 : i32
    %c0_i32_0 = arith.constant 0 : i32
    %c0_i32_1 = arith.constant 0 : i32
    return %arg0, %c0_i32, %c0_i32_0 : i32, i32, i32
  }
  func.func @transform_10(%arg0: i32) -> (i32, i32, i32) {
    %c0_i32 = arith.constant 0 : i32
    %c0_i32_0 = arith.constant 0 : i32
    %c0_i32_1 = arith.constant 0 : i32
    return %arg0, %c0_i32, %c0_i32_0 : i32, i32, i32
  }
  func.func @transform_11(%arg0: i32) -> (i32, i32, i32) {
    %c0_i32 = arith.constant 0 : i32
    %c0_i32_0 = arith.constant 0 : i32
    %c0_i32_1 = arith.constant 0 : i32
    return %arg0, %c0_i32, %c0_i32_0 : i32, i32, i32
  }
}

module attributes {stable_mosaic.version = 14 : i64} {
  func.func @_kernel_c(%arg0: i32, %arg1: memref<1x128x128xf32, #tpu.memory_space<vmem>>, %arg2: memref<1x128x128xf32, #tpu.memory_space<vmem>>, %arg3: memref<1x128x1xf32, #tpu.memory_space<vmem>>, %arg4: memref<1x1x16xf32, #tpu.memory_space<vmem>>, %arg5: memref<1x128x65xf32, #tpu.memory_space<vmem>>, %arg6: memref<1x128x7xf32, #tpu.memory_space<vmem>>, %arg7: memref<1x128x64xf32, #tpu.memory_space<vmem>>, %arg8: memref<1x128x64xf32, #tpu.memory_space<vmem>>, %arg9: memref<1x128x64xf32, #tpu.memory_space<vmem>>) attributes {dimension_semantics = [#tpu.dimension_semantics<arbitrary>], iteration_bounds = array<i64: 4>, scalar_prefetch = 0 : i64, scratch_operands = 0 : i64, tpu.core_type = #tpu.core_type<tc>, window_params = [{transform_indices = @transform_0, window_bounds = array<i64: 1, 128, 128>}, {transform_indices = @transform_1, window_bounds = array<i64: 1, 128, 128>}, {transform_indices = @transform_2, window_bounds = array<i64: 1, 128, 1>}, {transform_indices = @transform_3, window_bounds = array<i64: 1, 1, 16>}, {transform_indices = @transform_4, window_bounds = array<i64: 1, 128, 65>}, {transform_indices = @transform_5, window_bounds = array<i64: 1, 128, 7>}, {transform_indices = @transform_6, window_bounds = array<i64: 1, 128, 64>}, {transform_indices = @transform_7, window_bounds = array<i64: 1, 128, 64>}, {transform_indices = @transform_8, window_bounds = array<i64: 1, 128, 64>}]} {
    %get3A = arith.constant 0 : index
    %get3A_0 = arith.constant 0 : index
    %get3A_1 = arith.constant 0 : index
    %get3A_2 = vector.load %arg1[%get3A, %get3A_0, %get3A_1] : memref<1x128x128xf32, #tpu.memory_space<vmem>>, vector<1x128x128xf32>
    %get3A_3 = vector.shape_cast %get3A_2 : vector<1x128x128xf32> to vector<128x128xf32>
    %get3A_4 = arith.constant 0 : index
    %get3A_5 = arith.constant 0 : index
    %get3A_6 = arith.constant 0 : index
    %get3A_7 = vector.load %arg2[%get3A_4, %get3A_5, %get3A_6] : memref<1x128x128xf32, #tpu.memory_space<vmem>>, vector<1x128x128xf32>
    %get3A_8 = vector.shape_cast %get3A_7 : vector<1x128x128xf32> to vector<128x128xf32>
    %get3A_9 = arith.constant 0 : index
    %get3A_10 = arith.constant 0 : index
    %get3A_11 = arith.constant 0 : index
    %get3A_12 = vector.load %arg3[%get3A_9, %get3A_10, %get3A_11] : memref<1x128x1xf32, #tpu.memory_space<vmem>>, vector<1x128x1xf32>
    %get3A_13 = vector.shape_cast %get3A_12 : vector<1x128x1xf32> to vector<128x1xf32>
    %get3A_14 = arith.constant 0 : index
    %get3A_15 = arith.constant 0 : index
    %get3A_16 = arith.constant 0 : index
    %get3A_17 = vector.load %arg4[%get3A_14, %get3A_15, %get3A_16] : memref<1x1x16xf32, #tpu.memory_space<vmem>>, vector<1x1x16xf32>
    %get3A_18 = vector.shape_cast %get3A_17 : vector<1x1x16xf32> to vector<1x16xf32>
    %slice3A = vector.extract_strided_slice %get3A_18 {offsets = [0, 0], sizes = [1, 1], strides = [1, 1]} : vector<1x16xf32> to vector<1x1xf32>
    %slice3A_19 = vector.extract_strided_slice %get3A_3 {offsets = [0, 0], sizes = [128, 16], strides = [1, 1]} : vector<128x128xf32> to vector<128x16xf32>
    %mul3A = vector.broadcast %slice3A : vector<1x1xf32> to vector<128x16xf32>
    %mul3A_20 = arith.mulf %slice3A_19, %mul3A : vector<128x16xf32>
    %slice3A_21 = vector.extract_strided_slice %get3A_3 {offsets = [0, 16], sizes = [128, 16], strides = [1, 1]} : vector<128x128xf32> to vector<128x16xf32>
    %mul3A_22 = vector.broadcast %slice3A : vector<1x1xf32> to vector<128x16xf32>
    %mul3A_23 = arith.mulf %slice3A_21, %mul3A_22 : vector<128x16xf32>
    %slice3A_24 = vector.extract_strided_slice %get3A_3 {offsets = [0, 32], sizes = [128, 16], strides = [1, 1]} : vector<128x128xf32> to vector<128x16xf32>
    %mul3A_25 = vector.broadcast %slice3A : vector<1x1xf32> to vector<128x16xf32>
    %mul3A_26 = arith.mulf %slice3A_24, %mul3A_25 : vector<128x16xf32>
    %slice3A_27 = vector.extract_strided_slice %get3A_3 {offsets = [0, 48], sizes = [128, 16], strides = [1, 1]} : vector<128x128xf32> to vector<128x16xf32>
    %mul3A_28 = vector.broadcast %slice3A : vector<1x1xf32> to vector<128x16xf32>
    %mul3A_29 = arith.mulf %slice3A_27, %mul3A_28 : vector<128x16xf32>
    %slice3A_30 = vector.extract_strided_slice %get3A_3 {offsets = [0, 64], sizes = [128, 7], strides = [1, 1]} : vector<128x128xf32> to vector<128x7xf32>
    %mul3A_31 = vector.broadcast %slice3A : vector<1x1xf32> to vector<128x7xf32>
    %mul3A_32 = arith.mulf %slice3A_30, %mul3A_31 : vector<128x7xf32>
    %slice3A_33 = vector.extract_strided_slice %get3A_8 {offsets = [0, 0], sizes = [128, 16], strides = [1, 1]} : vector<128x128xf32> to vector<128x16xf32>
    %mul3A_34 = vector.broadcast %slice3A : vector<1x1xf32> to vector<128x16xf32>
    %mul3A_35 = arith.mulf %slice3A_33, %mul3A_34 : vector<128x16xf32>
    %slice3A_36 = vector.extract_strided_slice %get3A_8 {offsets = [0, 16], sizes = [128, 16], strides = [1, 1]} : vector<128x128xf32> to vector<128x16xf32>
    %mul3A_37 = vector.broadcast %slice3A : vector<1x1xf32> to vector<128x16xf32>
    %mul3A_38 = arith.mulf %slice3A_36, %mul3A_37 : vector<128x16xf32>
    %slice3A_39 = vector.extract_strided_slice %get3A_8 {offsets = [0, 32], sizes = [128, 16], strides = [1, 1]} : vector<128x128xf32> to vector<128x16xf32>
    %mul3A_40 = vector.broadcast %slice3A : vector<1x1xf32> to vector<128x16xf32>
    %mul3A_41 = arith.mulf %slice3A_39, %mul3A_40 : vector<128x16xf32>
    %slice3A_42 = vector.extract_strided_slice %get3A_8 {offsets = [0, 48], sizes = [128, 16], strides = [1, 1]} : vector<128x128xf32> to vector<128x16xf32>
    %mul3A_43 = vector.broadcast %slice3A : vector<1x1xf32> to vector<128x16xf32>
    %mul3A_44 = arith.mulf %slice3A_42, %mul3A_43 : vector<128x16xf32>
    %iota3A = tpu.iota {dimensions = array<i32: 0>} : vector<16x64xi32>
    %convert_element_type3A = arith.sitofp %iota3A : vector<16x64xi32> to vector<16x64xf32>
    %iota3A_45 = tpu.iota {dimensions = array<i32: 1>} : vector<16x64xi32>
    %convert_element_type3A_46 = arith.sitofp %iota3A_45 : vector<16x64xi32> to vector<16x64xf32>
    %mul3A_47 = arith.constant 4.000000e+00 : f32
    %mul3A_48 = vector.broadcast %mul3A_47 : f32 to vector<16x64xf32>
    %mul3A_49 = arith.mulf %mul3A_48, %convert_element_type3A : vector<16x64xf32>
    %eq3A = arith.cmpf oeq, %convert_element_type3A_46, %mul3A_49 : vector<16x64xf32>
    %convert_element_type3A_50 = arith.extui %eq3A : vector<16x64xi1> to vector<16x64xi32>
    %convert_element_type3A_51 = arith.sitofp %convert_element_type3A_50 : vector<16x64xi32> to vector<16x64xf32>
    %dot_general3A = arith.constant dense<0.000000e+00> : vector<128x64xf32>
    %dot_general3A_52 = tpu.matmul %mul3A_20, %convert_element_type3A_51, %dot_general3A {dimension_numbers = #tpu.dot_dimension_numbers<[1], [0], [0], [1], [0, 0, 1, 1], [], []>, precision = #tpu.contract_precision<fp32>, transpose_lhs_hint = false} : vector<128x16xf32>, vector<16x64xf32>, vector<128x64xf32> -> vector<128x64xf32>
    %mul3A_53 = arith.constant 4.000000e+00 : f32
    %mul3A_54 = vector.broadcast %mul3A_53 : f32 to vector<16x64xf32>
    %mul3A_55 = arith.mulf %mul3A_54, %convert_element_type3A : vector<16x64xf32>
    %add3A = arith.constant 1.000000e+00 : f32
    %add3A_56 = vector.broadcast %add3A : f32 to vector<16x64xf32>
    %add3A_57 = arith.addf %mul3A_55, %add3A_56 : vector<16x64xf32>
    %eq3A_58 = arith.cmpf oeq, %convert_element_type3A_46, %add3A_57 : vector<16x64xf32>
    %convert_element_type3A_59 = arith.extui %eq3A_58 : vector<16x64xi1> to vector<16x64xi32>
    %convert_element_type3A_60 = arith.sitofp %convert_element_type3A_59 : vector<16x64xi32> to vector<16x64xf32>
    %dot_general3A_61 = arith.constant dense<0.000000e+00> : vector<128x64xf32>
    %dot_general3A_62 = tpu.matmul %mul3A_23, %convert_element_type3A_60, %dot_general3A_61 {dimension_numbers = #tpu.dot_dimension_numbers<[1], [0], [0], [1], [0, 0, 1, 1], [], []>, precision = #tpu.contract_precision<fp32>, transpose_lhs_hint = false} : vector<128x16xf32>, vector<16x64xf32>, vector<128x64xf32> -> vector<128x64xf32>
    %add3A_63 = arith.addf %dot_general3A_52, %dot_general3A_62 : vector<128x64xf32>
    %mul3A_64 = arith.constant 4.000000e+00 : f32
    %mul3A_65 = vector.broadcast %mul3A_64 : f32 to vector<16x64xf32>
    %mul3A_66 = arith.mulf %mul3A_65, %convert_element_type3A : vector<16x64xf32>
    %add3A_67 = arith.constant 2.000000e+00 : f32
    %add3A_68 = vector.broadcast %add3A_67 : f32 to vector<16x64xf32>
    %add3A_69 = arith.addf %mul3A_66, %add3A_68 : vector<16x64xf32>
    %eq3A_70 = arith.cmpf oeq, %convert_element_type3A_46, %add3A_69 : vector<16x64xf32>
    %convert_element_type3A_71 = arith.extui %eq3A_70 : vector<16x64xi1> to vector<16x64xi32>
    %convert_element_type3A_72 = arith.sitofp %convert_element_type3A_71 : vector<16x64xi32> to vector<16x64xf32>
    %dot_general3A_73 = arith.constant dense<0.000000e+00> : vector<128x64xf32>
    %dot_general3A_74 = tpu.matmul %mul3A_26, %convert_element_type3A_72, %dot_general3A_73 {dimension_numbers = #tpu.dot_dimension_numbers<[1], [0], [0], [1], [0, 0, 1, 1], [], []>, precision = #tpu.contract_precision<fp32>, transpose_lhs_hint = false} : vector<128x16xf32>, vector<16x64xf32>, vector<128x64xf32> -> vector<128x64xf32>
    %add3A_75 = arith.addf %add3A_63, %dot_general3A_74 : vector<128x64xf32>
    %mul3A_76 = arith.constant 4.000000e+00 : f32
    %mul3A_77 = vector.broadcast %mul3A_76 : f32 to vector<16x64xf32>
    %mul3A_78 = arith.mulf %mul3A_77, %convert_element_type3A : vector<16x64xf32>
    %add3A_79 = arith.constant 3.000000e+00 : f32
    %add3A_80 = vector.broadcast %add3A_79 : f32 to vector<16x64xf32>
    %add3A_81 = arith.addf %mul3A_78, %add3A_80 : vector<16x64xf32>
    %eq3A_82 = arith.cmpf oeq, %convert_element_type3A_46, %add3A_81 : vector<16x64xf32>
    %convert_element_type3A_83 = arith.extui %eq3A_82 : vector<16x64xi1> to vector<16x64xi32>
    %convert_element_type3A_84 = arith.sitofp %convert_element_type3A_83 : vector<16x64xi32> to vector<16x64xf32>
    %dot_general3A_85 = arith.constant dense<0.000000e+00> : vector<128x64xf32>
    %dot_general3A_86 = tpu.matmul %mul3A_29, %convert_element_type3A_84, %dot_general3A_85 {dimension_numbers = #tpu.dot_dimension_numbers<[1], [0], [0], [1], [0, 0, 1, 1], [], []>, precision = #tpu.contract_precision<fp32>, transpose_lhs_hint = false} : vector<128x16xf32>, vector<16x64xf32>, vector<128x64xf32> -> vector<128x64xf32>
    %add3A_87 = arith.addf %add3A_75, %dot_general3A_86 : vector<128x64xf32>
    %broadcast_in_dim3A = arith.constant 1.000000e+00 : f32
    %broadcast_in_dim3A_88 = vector.broadcast %broadcast_in_dim3A : f32 to vector<128x1xf32>
    %convert_element_type3A_89 = arith.sitofp %arg0 : i32 to f32
    %mul3A_90 = vector.broadcast %convert_element_type3A_89 : f32 to vector<128x1xf32>
    %mul3A_91 = arith.mulf %broadcast_in_dim3A_88, %mul3A_90 : vector<128x1xf32>
    %concatenate3A = tpu.concatenate %mul3A_91, %add3A_87 in 1 : vector<128x1xf32>, vector<128x64xf32> -> vector<128x65xf32>
    %swap3A = arith.constant 0 : index
    %swap3A_92 = arith.constant 0 : index
    %swap3A_93 = arith.constant 0 : index
    %swap3A_94 = vector.load %arg5[%swap3A, %swap3A_92, %swap3A_93] : memref<1x128x65xf32, #tpu.memory_space<vmem>>, vector<1x128x65xf32>
    %swap3A_95 = vector.shape_cast %swap3A_94 : vector<1x128x65xf32> to vector<128x65xf32>
    %swap3A_96 = vector.shape_cast %concatenate3A : vector<128x65xf32> to vector<1x128x65xf32>
    tpu.vector_store %arg5[%swap3A, %swap3A_92, %swap3A_93], %swap3A_96 {strides = array<i32>} : memref<1x128x65xf32, #tpu.memory_space<vmem>>, vector<1x128x65xf32>,
    %swap3A_97 = arith.constant 0 : index
    %swap3A_98 = arith.constant 0 : index
    %swap3A_99 = arith.constant 0 : index
    %swap3A_100 = vector.load %arg6[%swap3A_97, %swap3A_98, %swap3A_99] : memref<1x128x7xf32, #tpu.memory_space<vmem>>, vector<1x128x7xf32>
    %swap3A_101 = vector.shape_cast %swap3A_100 : vector<1x128x7xf32> to vector<128x7xf32>
    %swap3A_102 = vector.shape_cast %mul3A_32 : vector<128x7xf32> to vector<1x128x7xf32>
    tpu.vector_store %arg6[%swap3A_97, %swap3A_98, %swap3A_99], %swap3A_102 {strides = array<i32>} : memref<1x128x7xf32, #tpu.memory_space<vmem>>, vector<1x128x7xf32>,
    %sub3A = arith.subf %mul3A_26, %mul3A_20 : vector<128x16xf32>
    %add3A_103 = arith.constant 1.000000e+00 : f32
    %add3A_104 = vector.broadcast %add3A_103 : f32 to vector<128x16xf32>
    %add3A_105 = arith.addf %sub3A, %add3A_104 : vector<128x16xf32>
    %max3A = arith.constant 1.000000e-03 : f32
    %max3A_106 = vector.broadcast %max3A : f32 to vector<128x16xf32>
    %max3A_107 = arith.maximumf %add3A_105, %max3A_106 : vector<128x16xf32>
    %sub3A_108 = arith.subf %mul3A_29, %mul3A_23 : vector<128x16xf32>
    %add3A_109 = arith.constant 1.000000e+00 : f32
    %add3A_110 = vector.broadcast %add3A_109 : f32 to vector<128x16xf32>
    %add3A_111 = arith.addf %sub3A_108, %add3A_110 : vector<128x16xf32>
    %max3A_112 = arith.constant 1.000000e-03 : f32
    %max3A_113 = vector.broadcast %max3A_112 : f32 to vector<128x16xf32>
    %max3A_114 = arith.maximumf %add3A_111, %max3A_113 : vector<128x16xf32>
    %mul3A_115 = arith.constant 5.000000e-01 : f32
    %mul3A_116 = vector.broadcast %mul3A_115 : f32 to vector<128x16xf32>
    %mul3A_117 = arith.mulf %mul3A_116, %max3A_107 : vector<128x16xf32>
    %add3A_118 = arith.addf %mul3A_20, %mul3A_117 : vector<128x16xf32>
    %mul3A_119 = arith.constant 5.000000e-01 : f32
    %mul3A_120 = vector.broadcast %mul3A_119 : f32 to vector<128x16xf32>
    %mul3A_121 = arith.mulf %mul3A_120, %max3A_114 : vector<128x16xf32>
    %add3A_122 = arith.addf %mul3A_23, %mul3A_121 : vector<128x16xf32>
    %sub3A_123 = arith.subf %mul3A_41, %mul3A_35 : vector<128x16xf32>
    %add3A_124 = arith.constant 1.000000e+00 : f32
    %add3A_125 = vector.broadcast %add3A_124 : f32 to vector<128x16xf32>
    %add3A_126 = arith.addf %sub3A_123, %add3A_125 : vector<128x16xf32>
    %max3A_127 = arith.constant 1.000000e-03 : f32
    %max3A_128 = vector.broadcast %max3A_127 : f32 to vector<128x16xf32>
    %max3A_129 = arith.maximumf %add3A_126, %max3A_128 : vector<128x16xf32>
    %sub3A_130 = arith.subf %mul3A_44, %mul3A_38 : vector<128x16xf32>
    %add3A_131 = arith.constant 1.000000e+00 : f32
    %add3A_132 = vector.broadcast %add3A_131 : f32 to vector<128x16xf32>
    %add3A_133 = arith.addf %sub3A_130, %add3A_132 : vector<128x16xf32>
    %max3A_134 = arith.constant 1.000000e-03 : f32
    %max3A_135 = vector.broadcast %max3A_134 : f32 to vector<128x16xf32>
    %max3A_136 = arith.maximumf %add3A_133, %max3A_135 : vector<128x16xf32>
    %mul3A_137 = arith.constant 5.000000e-01 : f32
    %mul3A_138 = vector.broadcast %mul3A_137 : f32 to vector<128x16xf32>
    %mul3A_139 = arith.mulf %mul3A_138, %max3A_129 : vector<128x16xf32>
    %add3A_140 = arith.addf %mul3A_35, %mul3A_139 : vector<128x16xf32>
    %mul3A_141 = arith.constant 5.000000e-01 : f32
    %mul3A_142 = vector.broadcast %mul3A_141 : f32 to vector<128x16xf32>
    %mul3A_143 = arith.mulf %mul3A_142, %max3A_136 : vector<128x16xf32>
    %add3A_144 = arith.addf %mul3A_38, %mul3A_143 : vector<128x16xf32>
    %sub3A_145 = arith.subf %add3A_140, %add3A_118 : vector<128x16xf32>
    %div3A = arith.divf %sub3A_145, %max3A_107 : vector<128x16xf32>
    %sub3A_146 = arith.subf %add3A_144, %add3A_122 : vector<128x16xf32>
    %div3A_147 = arith.divf %sub3A_146, %max3A_114 : vector<128x16xf32>
    %div3A_148 = arith.divf %max3A_129, %max3A_107 : vector<128x16xf32>
    %log3A = math.log %div3A_148 : vector<128x16xf32>
    %div3A_149 = arith.divf %max3A_136, %max3A_114 : vector<128x16xf32>
    %log3A_150 = math.log %div3A_149 : vector<128x16xf32>
    %iota3A_151 = tpu.iota {dimensions = array<i32: 0>} : vector<16x64xi32>
    %convert_element_type3A_152 = arith.sitofp %iota3A_151 : vector<16x64xi32> to vector<16x64xf32>
    %iota3A_153 = tpu.iota {dimensions = array<i32: 1>} : vector<16x64xi32>
    %convert_element_type3A_154 = arith.sitofp %iota3A_153 : vector<16x64xi32> to vector<16x64xf32>
    %mul3A_155 = arith.constant 4.000000e+00 : f32
    %mul3A_156 = vector.broadcast %mul3A_155 : f32 to vector<16x64xf32>
    %mul3A_157 = arith.mulf %mul3A_156, %convert_element_type3A_152 : vector<16x64xf32>
    %eq3A_158 = arith.cmpf oeq, %convert_element_type3A_154, %mul3A_157 : vector<16x64xf32>
    %convert_element_type3A_159 = arith.extui %eq3A_158 : vector<16x64xi1> to vector<16x64xi32>
    %convert_element_type3A_160 = arith.sitofp %convert_element_type3A_159 : vector<16x64xi32> to vector<16x64xf32>
    %dot_general3A_161 = arith.constant dense<0.000000e+00> : vector<128x64xf32>
    %dot_general3A_162 = tpu.matmul %div3A, %convert_element_type3A_160, %dot_general3A_161 {dimension_numbers = #tpu.dot_dimension_numbers<[1], [0], [0], [1], [0, 0, 1, 1], [], []>, precision = #tpu.contract_precision<fp32>, transpose_lhs_hint = false} : vector<128x16xf32>, vector<16x64xf32>, vector<128x64xf32> -> vector<128x64xf32>
    %mul3A_163 = arith.constant 4.000000e+00 : f32
    %mul3A_164 = vector.broadcast %mul3A_163 : f32 to vector<16x64xf32>
    %mul3A_165 = arith.mulf %mul3A_164, %convert_element_type3A_152 : vector<16x64xf32>
    %add3A_166 = arith.constant 1.000000e+00 : f32
    %add3A_167 = vector.broadcast %add3A_166 : f32 to vector<16x64xf32>
    %add3A_168 = arith.addf %mul3A_165, %add3A_167 : vector<16x64xf32>
    %eq3A_169 = arith.cmpf oeq, %convert_element_type3A_154, %add3A_168 : vector<16x64xf32>
    %convert_element_type3A_170 = arith.extui %eq3A_169 : vector<16x64xi1> to vector<16x64xi32>
    %convert_element_type3A_171 = arith.sitofp %convert_element_type3A_170 : vector<16x64xi32> to vector<16x64xf32>
    %dot_general3A_172 = arith.constant dense<0.000000e+00> : vector<128x64xf32>
    %dot_general3A_173 = tpu.matmul %div3A_147, %convert_element_type3A_171, %dot_general3A_172 {dimension_numbers = #tpu.dot_dimension_numbers<[1], [0], [0], [1], [0, 0, 1, 1], [], []>, precision = #tpu.contract_precision<fp32>, transpose_lhs_hint = false} : vector<128x16xf32>, vector<16x64xf32>, vector<128x64xf32> -> vector<128x64xf32>
    %add3A_174 = arith.addf %dot_general3A_162, %dot_general3A_173 : vector<128x64xf32>
    %mul3A_175 = arith.constant 4.000000e+00 : f32
    %mul3A_176 = vector.broadcast %mul3A_175 : f32 to vector<16x64xf32>
    %mul3A_177 = arith.mulf %mul3A_176, %convert_element_type3A_152 : vector<16x64xf32>
    %add3A_178 = arith.constant 2.000000e+00 : f32
    %add3A_179 = vector.broadcast %add3A_178 : f32 to vector<16x64xf32>
    %add3A_180 = arith.addf %mul3A_177, %add3A_179 : vector<16x64xf32>
    %eq3A_181 = arith.cmpf oeq, %convert_element_type3A_154, %add3A_180 : vector<16x64xf32>
    %convert_element_type3A_182 = arith.extui %eq3A_181 : vector<16x64xi1> to vector<16x64xi32>
    %convert_element_type3A_183 = arith.sitofp %convert_element_type3A_182 : vector<16x64xi32> to vector<16x64xf32>
    %dot_general3A_184 = arith.constant dense<0.000000e+00> : vector<128x64xf32>
    %dot_general3A_185 = tpu.matmul %log3A, %convert_element_type3A_183, %dot_general3A_184 {dimension_numbers = #tpu.dot_dimension_numbers<[1], [0], [0], [1], [0, 0, 1, 1], [], []>, precision = #tpu.contract_precision<fp32>, transpose_lhs_hint = false} : vector<128x16xf32>, vector<16x64xf32>, vector<128x64xf32> -> vector<128x64xf32>
    %add3A_186 = arith.addf %add3A_174, %dot_general3A_185 : vector<128x64xf32>
    %mul3A_187 = arith.constant 4.000000e+00 : f32
    %mul3A_188 = vector.broadcast %mul3A_187 : f32 to vector<16x64xf32>
    %mul3A_189 = arith.mulf %mul3A_188, %convert_element_type3A_152 : vector<16x64xf32>
    %add3A_190 = arith.constant 3.000000e+00 : f32
    %add3A_191 = vector.broadcast %add3A_190 : f32 to vector<16x64xf32>
    %add3A_192 = arith.addf %mul3A_189, %add3A_191 : vector<16x64xf32>
    %eq3A_193 = arith.cmpf oeq, %convert_element_type3A_154, %add3A_192 : vector<16x64xf32>
    %convert_element_type3A_194 = arith.extui %eq3A_193 : vector<16x64xi1> to vector<16x64xi32>
    %convert_element_type3A_195 = arith.sitofp %convert_element_type3A_194 : vector<16x64xi32> to vector<16x64xf32>
    %dot_general3A_196 = arith.constant dense<0.000000e+00> : vector<128x64xf32>
    %dot_general3A_197 = tpu.matmul %log3A_150, %convert_element_type3A_195, %dot_general3A_196 {dimension_numbers = #tpu.dot_dimension_numbers<[1], [0], [0], [1], [0, 0, 1, 1], [], []>, precision = #tpu.contract_precision<fp32>, transpose_lhs_hint = false} : vector<128x16xf32>, vector<16x64xf32>, vector<128x64xf32> -> vector<128x64xf32>
    %add3A_198 = arith.addf %add3A_186, %dot_general3A_197 : vector<128x64xf32>
    %iota3A_199 = tpu.iota {dimensions = array<i32: 1>} : vector<1x64xi32>
    %convert_element_type3A_200 = arith.sitofp %iota3A_199 : vector<1x64xi32> to vector<1x64xf32>
    %div3A_201 = arith.constant 4.000000e+00 : f32
    %div3A_202 = vector.broadcast %div3A_201 : f32 to vector<1x64xf32>
    %div3A_203 = arith.divf %convert_element_type3A_200, %div3A_202 : vector<1x64xf32>
    %floor3A = math.floor %div3A_203 : vector<1x64xf32>
    %mul3A_204 = arith.constant 4.000000e+00 : f32
    %mul3A_205 = vector.broadcast %mul3A_204 : f32 to vector<1x64xf32>
    %mul3A_206 = arith.mulf %mul3A_205, %floor3A : vector<1x64xf32>
    %sub3A_207 = arith.subf %convert_element_type3A_200, %mul3A_206 : vector<1x64xf32>
    %lt3A = arith.constant 2.000000e+00 : f32
    %lt3A_208 = vector.broadcast %lt3A : f32 to vector<1x64xf32>
    %lt3A_209 = arith.cmpf olt, %sub3A_207, %lt3A_208 : vector<1x64xf32>
    %jit3A = arith.constant 1.000000e-01 : f32
    %jit3A_210 = arith.constant 2.000000e-01 : f32
    %broadcast_in_dim3A_211 = vector.broadcast %jit3A : f32 to vector<1x64xf32>
    %broadcast_in_dim3A_212 = vector.broadcast %jit3A_210 : f32 to vector<1x64xf32>
    %select_n3A = arith.select %lt3A_209, %broadcast_in_dim3A_211, %broadcast_in_dim3A_212 : vector<1x64xi1>, vector<1x64xf32>
    %div3A_213 = vector.broadcast %select_n3A : vector<1x64xf32> to vector<128x64xf32>
    %div3A_214 = arith.divf %add3A_198, %div3A_213 : vector<128x64xf32>
    %gt3A = arith.constant 0.000000e+00 : f32
    %gt3A_215 = vector.broadcast %gt3A : f32 to vector<128x1xf32>
    %gt3A_216 = arith.cmpf ogt, %get3A_13, %gt3A_215 : vector<128x1xf32>
    %convert_element_type3A_217 = arith.extui %gt3A_216 : vector<128x1xi1> to vector<128x1xi32>
    %convert_element_type3A_218 = arith.sitofp %convert_element_type3A_217 : vector<128x1xi32> to vector<128x1xf32>
    %mul3A_219 = vector.broadcast %convert_element_type3A_218 : vector<128x1xf32> to vector<128x64xf32>
    %mul3A_220 = arith.mulf %div3A_214, %mul3A_219 : vector<128x64xf32>
    %swap3A_221 = arith.constant 0 : index
    %swap3A_222 = arith.constant 0 : index
    %swap3A_223 = arith.constant 0 : index
    %swap3A_224 = vector.load %arg7[%swap3A_221, %swap3A_222, %swap3A_223] : memref<1x128x64xf32, #tpu.memory_space<vmem>>, vector<1x128x64xf32>
    %swap3A_225 = vector.shape_cast %swap3A_224 : vector<1x128x64xf32> to vector<128x64xf32>
    %swap3A_226 = vector.shape_cast %mul3A_220 : vector<128x64xf32> to vector<1x128x64xf32>
    tpu.vector_store %arg7[%swap3A_221, %swap3A_222, %swap3A_223], %swap3A_226 {strides = array<i32>} : memref<1x128x64xf32, #tpu.memory_space<vmem>>, vector<1x128x64xf32>,
    %broadcast_in_dim3A_227 = arith.constant 1.000000e+00 : f32
    %broadcast_in_dim3A_228 = vector.broadcast %broadcast_in_dim3A_227 : f32 to vector<1x64xf32>
    %mul3A_229 = vector.broadcast %convert_element_type3A_218 : vector<128x1xf32> to vector<128x64xf32>
    %mul3A_230 = vector.broadcast %broadcast_in_dim3A_228 : vector<1x64xf32> to vector<128x64xf32>
    %mul3A_231 = arith.mulf %mul3A_229, %mul3A_230 : vector<128x64xf32>
    %swap3A_232 = arith.constant 0 : index
    %swap3A_233 = arith.constant 0 : index
    %swap3A_234 = arith.constant 0 : index
    %swap3A_235 = vector.load %arg8[%swap3A_232, %swap3A_233, %swap3A_234] : memref<1x128x64xf32, #tpu.memory_space<vmem>>, vector<1x128x64xf32>
    %swap3A_236 = vector.shape_cast %swap3A_235 : vector<1x128x64xf32> to vector<128x64xf32>
    %swap3A_237 = vector.shape_cast %mul3A_231 : vector<128x64xf32> to vector<1x128x64xf32>
    tpu.vector_store %arg8[%swap3A_232, %swap3A_233, %swap3A_234], %swap3A_237 {strides = array<i32>} : memref<1x128x64xf32, #tpu.memory_space<vmem>>, vector<1x128x64xf32>,
    %gt3A_238 = arith.constant 0.000000e+00 : f32
    %gt3A_239 = vector.broadcast %gt3A_238 : f32 to vector<128x64xf32>
    %gt3A_240 = arith.cmpf ogt, %mul3A_231, %gt3A_239 : vector<128x64xf32>
    %convert_element_type3A_241 = arith.extui %gt3A_240 : vector<128x64xi1> to vector<128x64xi32>
    %convert_element_type3A_242 = arith.sitofp %convert_element_type3A_241 : vector<128x64xi32> to vector<128x64xf32>
    %swap3A_243 = arith.constant 0 : index
    %swap3A_244 = arith.constant 0 : index
    %swap3A_245 = arith.constant 0 : index
    %swap3A_246 = vector.load %arg9[%swap3A_243, %swap3A_244, %swap3A_245] : memref<1x128x64xf32, #tpu.memory_space<vmem>>, vector<1x128x64xf32>
    %swap3A_247 = vector.shape_cast %swap3A_246 : vector<1x128x64xf32> to vector<128x64xf32>
    %swap3A_248 = vector.shape_cast %convert_element_type3A_242 : vector<128x64xf32> to vector<1x128x64xf32>
    tpu.vector_store %arg9[%swap3A_243, %swap3A_244, %swap3A_245], %swap3A_248 {strides = array<i32>} : memref<1x128x64xf32, #tpu.memory_space<vmem>>, vector<1x128x64xf32>,
    return
  }
  func.func @transform_0(%arg0: i32) -> (i32, i32, i32) {
    %c0_i32 = arith.constant 0 : i32
    %c0_i32_0 = arith.constant 0 : i32
    %c0_i32_1 = arith.constant 0 : i32
    return %arg0, %c0_i32, %c0_i32_0 : i32, i32, i32
  }
  func.func @transform_1(%arg0: i32) -> (i32, i32, i32) {
    %c0_i32 = arith.constant 0 : i32
    %c0_i32_0 = arith.constant 0 : i32
    %c0_i32_1 = arith.constant 0 : i32
    return %arg0, %c0_i32, %c0_i32_0 : i32, i32, i32
  }
  func.func @transform_2(%arg0: i32) -> (i32, i32, i32) {
    %c0_i32 = arith.constant 0 : i32
    %c0_i32_0 = arith.constant 0 : i32
    %c0_i32_1 = arith.constant 0 : i32
    return %arg0, %c0_i32, %c0_i32_0 : i32, i32, i32
  }
  func.func @transform_3(%arg0: i32) -> (i32, i32, i32) {
    %c0_i32 = arith.constant 0 : i32
    %c0_i32_0 = arith.constant 0 : i32
    %c0_i32_1 = arith.constant 0 : i32
    return %arg0, %c0_i32, %c0_i32_0 : i32, i32, i32
  }
  func.func @transform_4(%arg0: i32) -> (i32, i32, i32) {
    %c0_i32 = arith.constant 0 : i32
    %c0_i32_0 = arith.constant 0 : i32
    %c0_i32_1 = arith.constant 0 : i32
    return %arg0, %c0_i32, %c0_i32_0 : i32, i32, i32
  }
  func.func @transform_5(%arg0: i32) -> (i32, i32, i32) {
    %c0_i32 = arith.constant 0 : i32
    %c0_i32_0 = arith.constant 0 : i32
    %c0_i32_1 = arith.constant 0 : i32
    return %arg0, %c0_i32, %c0_i32_0 : i32, i32, i32
  }
  func.func @transform_6(%arg0: i32) -> (i32, i32, i32) {
    %c0_i32 = arith.constant 0 : i32
    %c0_i32_0 = arith.constant 0 : i32
    %c0_i32_1 = arith.constant 0 : i32
    return %arg0, %c0_i32, %c0_i32_0 : i32, i32, i32
  }
  func.func @transform_7(%arg0: i32) -> (i32, i32, i32) {
    %c0_i32 = arith.constant 0 : i32
    %c0_i32_0 = arith.constant 0 : i32
    %c0_i32_1 = arith.constant 0 : i32
    return %arg0, %c0_i32, %c0_i32_0 : i32, i32, i32
  }
  func.func @transform_8(%arg0: i32) -> (i32, i32, i32) {
    %c0_i32 = arith.constant 0 : i32
    %c0_i32_0 = arith.constant 0 : i32
    %c0_i32_1 = arith.constant 0 : i32
    return %arg0, %c0_i32, %c0_i32_0 : i32, i32, i32
  }
}

</mosaic_0001>

<sc_bundles>
// kernel: kernel.5.cloned.1.call-start
scs
__scs_entry_jumppad:
0x0: {  	(pc) =	sbr.rel $0x88, $3  }
0x1: {  	(tag) =	ssettag $0x0;
	lr =	simm.s32 $0x1  }
0x2: {  	[smem:$0x3F9E] =	sst lr;
	_ =	strace $0xD0000000  }
0x3: {  	_ = 	snop  }
0x4: {  	_ = 	snop  }
0x5: {  	_ = 	snop  }
0x6: {  	_ = 	snop  }
0x7: {  	_ = 	snop  }
__scs_overlays_trampoline_lowered:
0x8: {  	[smem:$0x3FAD] =	sst s0  }
0x9: {  	[smem:$0x3FAE] =	sst s1  }
0xa: {  	[smem:$0x3FAF] =	sst s2  }
0xb: {  	[smem:$0x3FB0] =	sst s3  }
0xc: {  	[smem:$0x3FB1] =	sst s4  }
0xd: {  	[smem:$0x3FB2] =	sst s5  }
0xe: {  	[smem:$0x3FB3] =	sst s6  }
0xf: {  	[smem:$0x3FB4] =	sst s7  }
0x10: {  	[smem:$0x3FB5] =	sst s8  }
0x11: {  	[smem:$0x3FB6] =	sst s9;
	s0 =	simm.s32 @!p0 $0x0  }
0x12: {  	s1 =	sld [smem:$0x3F9C];
	s0 =	simm.s32 @p0 $0x1  }
0x13: {  	[smem:$0x3FB7] =	sst s0;
	s0 =	simm.s32 @!p1 $0x0  }
0x14: {  	s2 =	sld [smem:$0x3F9B];
	s0 =	simm.s32 @p1 $0x1  }
0x15: {  	[smem:$0x3FB8] =	sst s0;
	s0 =	simm.s32 @!p2 $0x0  }
0x16: {  	s3 =	sld [smem:$0x3FDB];
	s0 =	simm.s32 @p2 $0x1  }
0x17: {  	s4 =	simm.s32 $0x1BF5;
	[smem:$0x3FBA] =	sst s0  }
0x18: {  	s0 =	sld [smem:$0x3F9D];
	_ =	swait.ge [sflag:s4], $0x0  }
0x19: {  	s7 =	sld [smem:$0x3F9E]  }
0x1a: {  	s8 =	sadd.s32 $0xFFFFE003, lr  }
0x1b: {  	s9 =	sadd.s32 $0xFFFFFEF7, lr;
	s5 =	simm.s32 $0xFFFFFFFF;
	p2 =	slt.u32 s8, $0xFFFFF086  }
0x1c: {  	p1 =	slt.u32 s9, $0xF7A;
	s5 =	simm.s32 @!p2 $0x0  }
0x1d: {  	s5 =	simm.s32 @p1 $0x1;
	p0 =	seq.s32 s7, s2  }
0x1e: {  	s7 =	smul.u32 @!p0 $0xF7A, s2;
	p2 =	seq.s32 @!p0 s5, $0x0  }
0x1f: {  	s9 =	smul.u32 $0xF7A, s1;
	s8 =	simm.s32 @!p0 $0x1BF5;
	p2 =	por !p2, p0  }
0x20: {  	[sflag:s8] =	ssyncset.s32 @!p0 $0xFFFFF086;
	s6 =	sadd.s32 @!p0 s3, s7;
	s7 =	simm.s32 @!p0 $0x108  }
0x21: {  	s3 =	sadd.s32 s3, s9;
	s6 =	sadd.s32 @!p0 $0x88, s6;
	s7 =	simm.s32 @p2 $0x1082  }
0x22: {  	[simem:s7], [sflag:s8] =	dma.local @!p0 [hbm:s6], $0xF7A  }
0x23: {  	s9 =	sor.u32 $0xD0000000, s2;
	s6 =	simm.s32 $0x108;
	_ =	swait.ge @!p0 [sflag:s8], $0x0  }
0x24: {  	s3 =	sadd.s32 $0x88, s3;
	s6 =	simm.s32 @!p1 $0x1082;
	[sflag:s4] =	ssyncset.s32 $0xFFFFF086  }
0x25: {  	[simem:s6], [sflag:s4] =	dma.local [hbm:s3], $0xF7A  }
0x26: {  	[smem:$0x3F9E] =	sst s1;
	(tag) =	ssettag s2;
	_ =	strace s9  }
0x27: {  	s1 =	sld [smem:$0x3FAE]  }
0x28: {  	s2 =	sld [smem:$0x3FAF]  }
0x29: {  	s4 =	sld [smem:$0x3FB1]  }
0x2a: {  	p0 =	seq.s32 s5, $0x0;
	s5 =	sld [smem:$0x3FB2]  }
0x2b: {  	s6 =	sld [smem:$0x3FB3]  }
0x2c: {  	s7 =	sld [smem:$0x3FB4]  }
0x2d: {  	s3 =	simm.s32 $0x108;
	s8 =	sld [smem:$0x3FB5]  }
0x2e: {  	s3 =	simm.s32 @!p0 $0x1082;
	s9 =	sld [smem:$0x3FB6]  }
0x2f: {  	lr =	sadd.s32 s0, s3;
	s0 =	sld [smem:$0x3FAD]  }
0x30: {  	s3 =	sld [smem:$0x3FB0]  }
0x31: {  	[smem:$0x3FB9] =	sst s10  }
0x32: {  	s10 =	sld [smem:$0x3FB7];
	_ =	sdelay $0x3  }
0x33: {  	p0 =	seq.s32 s10, $0x1;
	s10 =	sld [smem:$0x3FB9];
	_ =	sdelay $0x3  }
0x34: {  	[smem:$0x3FB9] =	sst s10  }
0x35: {  	s10 =	sld [smem:$0x3FB8];
	_ =	sdelay $0x3  }
0x36: {  	p1 =	seq.s32 s10, $0x1;
	s10 =	sld [smem:$0x3FB9];
	_ =	sdelay $0x3  }
0x37: {  	[smem:$0x3FB9] =	sst s10  }
0x38: {  	s10 =	sld [smem:$0x3FBA]  }
0x39: {  	_ = 	snop;
	(pc) =	sbr.ind lr, $3  }
0x3a: {  	_ = 	snop  }
0x3b: {  	_ = 	snop  }
0x3c: {  	p2 =	seq.s32 s10, $0x1;
	s10 =	sld [smem:$0x3FB9]  }
0x3d: {  	_ =	shalt  }
0x3e: {  	_ =	shalt  }
0x3f: {  	_ =	shalt  }
0x40: {  	_ =	shalt  }
0x41: {  	_ =	shalt  }
0x42: {  	_ =	shalt  }
0x43: {  	_ =	shalt  }
0x44: {  	_ =	shalt  }
0x45: {  	_ =	shalt  }
0x46: {  	_ =	shalt  }
0x47: {  	_ =	shalt  }
0x48: {  	_ =	shalt  }
0x49: {  	_ =	shalt  }
0x4a: {  	_ =	shalt  }
0x4b: {  	_ =	shalt  }
0x4c: {  	_ =	shalt  }
0x4d: {  	_ =	shalt  }
0x4e: {  	_ =	shalt  }
0x4f: {  	_ =	shalt  }
0x50: {  	_ =	shalt  }
0x51: {  	_ =	shalt  }
0x52: {  	_ =	shalt  }
0x53: {  	_ =	shalt  }
0x54: {  	_ =	shalt  }
0x55: {  	_ =	shalt  }
0x56: {  	_ =	shalt  }
0x57: {  	_ =	shalt  }
0x58: {  	_ =	shalt  }
0x59: {  	_ =	shalt  }
0x5a: {  	_ =	shalt  }
0x5b: {  	_ =	shalt  }
0x5c: {  	_ =	shalt  }
0x5d: {  	_ =	shalt  }
0x5e: {  	_ =	shalt  }
0x5f: {  	_ =	shalt  }
0x60: {  	_ =	shalt  }
0x61: {  	_ =	shalt  }
0x62: {  	_ =	shalt  }
0x63: {  	_ =	shalt  }
0x64: {  	_ =	shalt  }
0x65: {  	_ =	shalt  }
0x66: {  	_ =	shalt  }
0x67: {  	_ =	shalt  }
0x68: {  	_ =	shalt  }
0x69: {  	_ =	shalt  }
0x6a: {  	_ =	shalt  }
0x6b: {  	_ =	shalt  }
0x6c: {  	_ =	shalt  }
0x6d: {  	_ =	shalt  }
0x6e: {  	_ =	shalt  }
0x6f: {  	_ =	shalt  }
0x70: {  	_ =	shalt  }
0x71: {  	_ =	shalt  }
0x72: {  	_ =	shalt  }
0x73: {  	_ =	shalt  }
0x74: {  	_ =	shalt  }
0x75: {  	_ =	shalt  }
0x76: {  	_ =	shalt  }
0x77: {  	_ =	shalt  }
0x78: {  	_ =	shalt  }
0x79: {  	_ =	shalt  }
0x7a: {  	_ =	shalt  }
0x7b: {  	_ =	shalt  }
0x7c: {  	_ =	shalt  }
0x7d: {  	_ =	shalt  }
0x7e: {  	_ =	shalt  }
0x7f: {  	_ =	shalt  }
0x80: {  	_ =	shalt  }
0x81: {  	_ =	shalt  }
0x82: {  	_ =	shalt  }
0x83: {  	_ =	shalt  }
0x84: {  	_ =	shalt  }
0x85: {  	_ =	shalt  }
0x86: {  	_ =	shalt  }
0x87: {  	_ =	shalt  }
.Lfunc_end0:
.L_simem_size_0:
called_computation_lowered:
.L_overlay_start_0:
0x88: {  	s2 =	sld [smem:$0x3FD9]  }
0x89: {  	s3 =	sld [smem:$0x3FFE];
	_ =	sdelay $0x1  }
0x8a: {  	s1 =	srdreg.scid  }
0x8b: {  	s0 =	sand.u32 $0x1, s1  }
0x8c: {  	s14 =	sshll.u32 s0, $0xA;
	s2 =	sadd.s32 s3, s2  }
0x8d: {  	s2 =	sadd.s32 s2, s14  }
0x8e: {  	[smem:$0x3FC5] =	sst s2  }
0x8f: {  	_ = 	snop  }
0x90: {  	s2 =	sld [smem:$0x3FD0];
	_ =	sdelay $0x2  }
0x91: {  	s15 =	simm.s32 $0xA;
	s4 =	simm.s32 $0x10  }
0x92: {  	[smem:s4], [sflag:s15] =	dma.local [hbm:s2], $0x1  }
0x93: {  	_ =	swait.eq [sflag:s15], $0x1  }
0x94: {  	s16 =	sld [smem:$0x11];
	[sflag:s15] =	ssyncset.done $0x0  }
0x95: {  	s17 =	sld [smem:$0x14];
	[sflag:s15] =	ssyncadd.s32 $0xFFFFFFFF  }
0x96: {  	s18 =	sld [smem:$0x15];
	(tm) =	ssettm $0x1  }
0x97: {  	s5 =	sld [smem:$0x3FFB];
	_ =	sdelay $0x3  }
0x98: {  	_ =	strace s5  }
0x99: {  	s5 =	sld [smem:$0x3FFC];
	_ =	sdelay $0x3  }
0x9a: {  	_ =	strace s5  }
0x9b: {  	s5 =	sld [smem:$0x3FFD];
	_ =	sdelay $0x3  }
0x9c: {  	_ =	strace s5  }
0x9d: {  	_ =	strace $0x8FFFFFFF  }
0x9e: {  	s19 =	sld [smem:$0x3FDB];
	_ =	sdelay $0x1  }
0x9f: {  	s6 =	simm.s32 $_scs_section_size  }
0xa0: {  	s7 =	simm.s32 $_size__tile_overlayer_lowered;
	s8 =	simm.s32 $_tile_overlayer_lowered  }
0xa1: {  	s22 =	simm.s32 $0x1BFF;
	s21 =	sshll.u32 s8, $0x1;
	s5 =	sadd.s32 s6, s19  }
0xa2: {  	s9 =	simm.s32 $0x0;
	s20 =	sshll.u32 s7, $0x1;
	s7 =	sadd.s32 s21, s5  }
0xa3: {  	[timem:s9], [sflag:s22] =	dma.local [hbm:s7], s20  }
0xa4: {  	_ =	swait.ge [sflag:s22], s20  }
0xa5: {  	s6 =	ssub.s32 $0x0, s20;
	[sflag:s22] =	ssyncset.done $0x0  }
0xa6: {  	[sflag:s22] =	ssyncadd.s32 s6;
	_ =	sdelay $0x1  }
0xa7: {  	s23 =	simm.s32 $0x1B8B  }
0xa8: {  	_ =	swait.ge [sflag:s23], $0x1  }
0xa9: {  	[sflag:s23] =	ssyncset.done $0x0  }
0xaa: {  	s25 =	simm.s32 $0x1B8E;
	s24 =	sld [smem:$0x3FFE];
	[sflag:s23] =	ssyncadd.s32 $0xFFFFFFFF  }
0xab: {  	s26 =	simm.s32 $execute0_lowered;
	[smem:$0x3FD2] =	sst s25  }
0xac: {  	s7 =	sshll.u32 s26, $0x1;
	_ =	strace $0x80000046;
	[dreg:$0x1] =	wrdreg $0xFFFFFFFF  }
0xad: {  	s28 =	simm.s32 $_size_execute0_lowered;
	s5 =	sadd.s32 s5, s7;
	[dreg:$0x0] =	wrdreg $0x0  }
0xae: {  	s7 =	sshll.u32 s28, $0x1;
	[dreg:$0x2] =	wrdreg s5  }
0xaf: {  	[dreg:$0x3] =	wrdreg s7  }
0xb0: {  	[dreg:$0x4] =	wrdreg $0xC0  }
0xb1: {  	_ =	task [dreg:s9], $0x5FFFF  }
0xb2: {  	[dreg:$0x1] =	wrdreg $0xFFFFFFFF  }
0xb3: {  	[dreg:$0x0] =	wrdreg $0x60  }
0xb4: {  	[dreg:$0x2] =	wrdreg s24  }
0xb5: {  	[dreg:$0x3] =	wrdreg s18  }
0xb6: {  	[dreg:$0x4] =	wrdreg s16  }
0xb7: {  	[dreg:$0x5] =	wrdreg s17  }
0xb8: {  	[dreg:$0x6] =	wrdreg $0x9  }
0xb9: {  	_ =	task.clear_ibuf [dreg:s9], $0x7FFFF;
	_ =	strace $0x90000046  }
0xba: {  	s29 =	simm.s32 $0x9;
	_ =	strace $0x80000048  }
0xbb: {  	_ =	swait.ge [sflag:s29], $0x1  }
0xbc: {  	[sflag:s29] =	ssyncadd.s32 $0xFFFFFFFF  }
0xbd: {  	_ =	strace $0x90000048  }
0xbe: {  	_ =	sfence  }
0xbf: {  	s30 =	sld [smem:$0x0];
	_ =	sdelay $0x2  }
0xc0: {  	s31 =	sshll.u32 s1, $0xD;
	s1 =	sshrl.u32 s1, $0x2  }
0xc1: {  	s3 =	sand.u32 $0x4000, s31;
	s1 =	sadd.s32 s1, s30  }
0xc2: {  	s0 =	sor.u32 s3, s0;
	s1 =	sshll.u32 s1, $0x11  }
0xc3: {  	s0 =	sor.u32 s1, s0  }
0xc4: {  	s0 =	sadd.s32 $0x8F2B, s0  }
0xc5: {  	[sflag:s0] =	ssyncadd.remote.s32 $0x1  }
0xc6: {  	_ =	sfence.sel $0xFFFF  }
0xc7: {  	[dreg:$0x0] =	wrdreg $0xFFFFFFFF;
	(pc) =	sbr.abs _section_cstart, $3  }
0xc8: {  	[dreg:$0x1] =	wrdreg $0xFFFFFFFF  }
0xc9: {  	_ =	task.clear_ibuf [dreg:s9], $0x2FFFF;
	_ =	strace $0x9FFFFFFF  }
0xca: {  	(tm) =	ssettm $0x7FFFFFFF  }
0xcb: {  	_ =	shalt  }
tec
execute0_lowered:
.L_overlay_start_1:
0x0: {  	(tag) =	ssettag $0x1  }
0x1: {  	s1 =	stileid.u32  }
0x2: {  	s6 =	rddreg [dreg:$0x0];
	p0 =	sgt.u32 s1, $0x1  }
.Ltmp0:
0x3: {  	s2 =	rddreg [dreg:$0x1];
	(pc) =	sbr.rel @p0 .LBB2_5-.Ltmp0, $4  }
0x4: {  	s5 =	rddreg [dreg:$0x2]  }
0x5: {  	s4 =	rddreg [dreg:$0x3];
	s3 =	simm.s32 $0x0  }
0x6: {  	[smem:$0x7FF] =	sst s3  }
0x7: {  	s0 =	rddreg [dreg:$0x4];
	_ =	strace $0x80000047  }
0x8: {  	s7 =	srdreg.scid  }
0x9: {  	s8 =	sshll.u32 s1, $0x1;
	s7 =	sand.u32 $0x1, s7  }
0xa: {  	s8 =	sor.u32 s7, s8;
	s7 =	ssub.s32 $0x2, s7  }
0xb: {  	s14 =	sshrl.u32 s7, $0x1  }
0xc: {  	s31 =	ssub.s32 s7, s14  }
0xd: {  	s14 =	smax.u32 s31, $0x1  }
0xe: {  	s10 =	sadd.s32 $0x1200, s6;
	p0 =	por $0x0, $0x0;
	p1 =	sne.s32 s14, $0x1  }
.Ltmp1:
0xf: {  	s9 =	sshll.u32 s8, $0xB;
	s12 =	sshll.u32 s8, $0x4;
	(pc) =	sbr.rel @!p1 .LBB2_4-.Ltmp1, $4  }
0x10: {  	s13 =	smul.u32 $0x1390, s8;
	s8 =	sshll.u32 s8, $0x3;
	s30 =	sadd.s32 s9, s6  }
0x11: {  	s9 =	sadd.s32 s4, s12;
	s12 =	sadd.s32 s5, s12;
	s5 =	simm.s32 $0x2  }
0x12: {  	s7 =	simm.s32 $0x80;
	s6 =	simm.s32 $0x1;
	v0 =	vmov s8;
	s8 =	simm.s32 $0x4080  }
0x13: {  	s11 =	sadd.s32 $0x4F600, s30;
	s4 =	sadd.s32 $0x51600, s30;
	v1 =	vmov s13;
	s13 =	sadd.s32 $0xFFFFFFFF, s14  }
0x14: {  	[tilespmem:s3], [sflag:$0x2] =	stream.linear.gather [hbm4b:s12+s3], $0x80, $0x38;
	[tilespmem:$0x8080] =	vst v63  }
0x15: {  	_ =	swait.ge [sflag:s5], $0x80  }
0x16: {  	[sflag:s5] =	ssyncset.done $0x0  }
0x17: {  	[sflag:s5] =	ssyncadd.s32 $0xFFFFFF80  }
0x18: {  	v2 =	vld [tilespmem:$0x40]  }
0x19: {  	v3 =	vld [tilespmem:$0x60]  }
0x1a: {  	v4 =	vld [tilespmem:$0x30]  }
0x1b: {  	v6 =	vld [tilespmem:$0x20]  }
0x1c: {  	v8 =	vld [tilespmem:$0x0];
	_ =	sdelay $0x1  }
0x1d: {  	v5 =	vld [tilespmem:$0x70];
	v2 =	vadd.s32 v1, v2  }
0x1e: {  	v7 =	vld [tilespmem:$0x50];
	v4 =	vadd.s32 v1, v4;
	[tilespmem:$0x40] =	vst v2  }
0x1f: {  	v56 =	vadd.s32 v1, v6;
	v2 =	vadd.s32 v1, v3;
	v3 =	vld [tilespmem:$0x10];
	[tilespmem:$0x30] =	vst v4  }
0x20: {  	v57 =	vadd.s32 v1, v8;
	[tilespmem:$0x20] =	vst v56  }
0x21: {  	[tilespmem:$0x0] =	vst v57  }
0x22: {  	[tilespmem:$0x60] =	vst v2;
	v2 =	vadd.s32 v1, v5  }
0x23: {  	[tilespmem:$0x70] =	vst v2;
	v2 =	vadd.s32 v1, v7  }
0x24: {  	[tilespmem:$0x50] =	vst v2;
	v2 =	vadd.s32 v1, v3  }
0x25: {  	[tilespmem:$0x10] =	vst v2  }
0x26: {  	[tilespmem:s7], [sflag:$0x1] =	stream.indirect.gather [hbm4b:s10+s7], $0x80, s3, s7, $0xb8;
	[tilespmem:$0x8080] =	vst v63  }
0x27: {  	_ =	swait.ge [sflag:s6], $0x4000  }
0x28: {  	[sflag:s6] =	ssyncset.done $0x0  }
0x29: {  	[sflag:s6] =	ssyncadd.s32 $0xFFFFC000  }
0x2a: {  	[hbm4b:s11+s3] =	stream.linear.scatter [tilespmem:s7], [sflag:$0x2], $0x4000, $0x38;
	[tilespmem:$0x8080] =	vst v63  }
0x2b: {  	_ =	swait.ge [sflag:s5], $0x4000  }
0x2c: {  	[sflag:s5] =	ssyncset.done $0x0  }
0x2d: {  	[sflag:s5] =	ssyncadd.s32 $0xFFFFC000  }
0x2e: {  	[tilespmem:s3], [sflag:$0x2] =	stream.linear.gather [hbm4b:s9+s3], $0x80, $0x38;
	[tilespmem:$0x8080] =	vst v63  }
0x2f: {  	_ =	swait.ge [sflag:s5], $0x80  }
0x30: {  	[sflag:s5] =	ssyncset.done $0x0  }
0x31: {  	[sflag:s5] =	ssyncadd.s32 $0xFFFFFF80  }
0x32: {  	v2 =	vld [tilespmem:$0x60]  }
0x33: {  	v3 =	vld [tilespmem:$0x70]  }
0x34: {  	v58 =	vld [tilespmem:$0x20]  }
0x35: {  	v59 =	vld [tilespmem:$0x30]  }
0x36: {  	v60 =	vld [tilespmem:$0x0]  }
0x37: {  	v61 =	vld [tilespmem:$0x50];
	v2 =	vadd.s32 v0, v2  }
0x38: {  	v62 =	vld [tilespmem:$0x10];
	[tilespmem:$0x60] =	vst v2;
	v2 =	vadd.s32 v0, v3  }
0x39: {  	v63 =	vld [tilespmem:$0x40];
	v3 =	vadd.s32 v0, v58;
	[tilespmem:$0x70] =	vst v2  }
0x3a: {  	[tilespmem:$0x20] =	vst v3;
	v2 =	vadd.s32 v0, v59  }
0x3b: {  	v3 =	vadd.s32 v0, v60;
	[tilespmem:$0x30] =	vst v2  }
0x3c: {  	[tilespmem:$0x0] =	vst v3;
	v2 =	vadd.s32 v0, v61  }
0x3d: {  	v3 =	vadd.s32 v0, v62;
	[tilespmem:$0x50] =	vst v2  }
0x3e: {  	[tilespmem:$0x10] =	vst v3;
	v2 =	vadd.s32 v0, v63  }
0x3f: {  	[tilespmem:$0x40] =	vst v2  }
0x40: {  	[tilespmem:s8], [sflag:$0x1] =	stream.indirect.gather [hbm4b:s2+s7], $0x80, s3, s7, $0xb8;
	[tilespmem:$0x8080] =	vst v63  }
0x41: {  	p1 =	sne.s32 s13, $0x1;
	_ =	swait.ge [sflag:s6], $0x4000  }
.Ltmp2:
0x42: {  	[sflag:s6] =	ssyncset.done $0x0;
	(pc) =	sbr.rel @!p1 .LBB2_4-.Ltmp2, $4  }
0x43: {  	[sflag:s6] =	ssyncadd.s32 $0xFFFFC000  }
0x44: {  	[hbm4b:s4+s3] =	stream.linear.scatter [tilespmem:s8], [sflag:$0x2], $0x4000, $0x38;
	[tilespmem:$0x8080] =	vst v63  }
0x45: {  	_ =	swait.ge [sflag:s5], $0x4000  }
0x46: {  	s13 =	sadd.s32 $0xFFFFFFFF, s13;
	p0 =	por $0x1, $0x1;
	[sflag:s5] =	ssyncset.done $0x0  }
.LBB2_3:
0x47: {  	p1 =	sne.s32 s13, $0x1;
	s13 =	sadd.s32 $0xFFFFFFFF, s13;
	[sflag:s5] =	ssyncadd.s32 $0xFFFFC000  }
0x48: {  	_ = 	snop  }
0x49: {  	[tilespmem:s3], [sflag:$0x2] =	stream.linear.gather [hbm4b:s12+s3], $0x80, $0x38;
	[tilespmem:$0x8080] =	vst v63  }
0x4a: {  	_ =	swait.ge [sflag:s5], $0x80  }
0x4b: {  	[sflag:s5] =	ssyncset.done $0x0  }
0x4c: {  	[sflag:s5] =	ssyncadd.s32 $0xFFFFFF80  }
0x4d: {  	v2 =	vld [tilespmem:$0x40]  }
0x4e: {  	v3 =	vld [tilespmem:$0x60]  }
0x4f: {  	v4 =	vld [tilespmem:$0x30]  }
0x50: {  	v5 =	vld [tilespmem:$0x70]  }
0x51: {  	v6 =	vld [tilespmem:$0x20]  }
0x52: {  	v2 =	vadd.s32 v1, v2;
	v7 =	vld [tilespmem:$0x50]  }
0x53: {  	v8 =	vld [tilespmem:$0x0];
	[tilespmem:$0x40] =	vst v2;
	v2 =	vadd.s32 v1, v3  }
0x54: {  	v3 =	vld [tilespmem:$0x10];
	v4 =	vadd.s32 v1, v4;
	[tilespmem:$0x60] =	vst v2  }
0x55: {  	[tilespmem:$0x30] =	vst v4;
	v2 =	vadd.s32 v1, v5  }
0x56: {  	v4 =	vadd.s32 v1, v6;
	[tilespmem:$0x70] =	vst v2  }
0x57: {  	[tilespmem:$0x20] =	vst v4;
	v2 =	vadd.s32 v1, v7  }
0x58: {  	v4 =	vadd.s32 v1, v8;
	[tilespmem:$0x50] =	vst v2  }
0x59: {  	[tilespmem:$0x0] =	vst v4;
	v2 =	vadd.s32 v1, v3  }
0x5a: {  	[tilespmem:$0x10] =	vst v2  }
0x5b: {  	[tilespmem:s7], [sflag:$0x1] =	stream.indirect.gather [hbm4b:s10+s7], $0x80, s3, s7, $0xb8;
	[tilespmem:$0x8080] =	vst v63  }
0x5c: {  	_ =	swait.ge [sflag:s6], $0x4000  }
0x5d: {  	[sflag:s6] =	ssyncset.done $0x0  }
0x5e: {  	[sflag:s6] =	ssyncadd.s32 $0xFFFFC000  }
0x5f: {  	[hbm4b:s11+s3] =	stream.linear.scatter [tilespmem:s7], [sflag:$0x2], $0x4000, $0x38;
	[tilespmem:$0x8080] =	vst v63  }
0x60: {  	_ =	swait.ge [sflag:s5], $0x4000  }
0x61: {  	[sflag:s5] =	ssyncset.done $0x0  }
0x62: {  	[sflag:s5] =	ssyncadd.s32 $0xFFFFC000  }
0x63: {  	[tilespmem:s3], [sflag:$0x2] =	stream.linear.gather [hbm4b:s9+s3], $0x80, $0x38;
	[tilespmem:$0x8080] =	vst v63  }
0x64: {  	_ =	swait.ge [sflag:s5], $0x80  }
0x65: {  	[sflag:s5] =	ssyncset.done $0x0  }
0x66: {  	[sflag:s5] =	ssyncadd.s32 $0xFFFFFF80  }
0x67: {  	v2 =	vld [tilespmem:$0x60]  }
0x68: {  	v3 =	vld [tilespmem:$0x70]  }
0x69: {  	v4 =	vld [tilespmem:$0x20]  }
0x6a: {  	v5 =	vld [tilespmem:$0x30]  }
0x6b: {  	v6 =	vld [tilespmem:$0x0]  }
0x6c: {  	v7 =	vld [tilespmem:$0x50];
	v2 =	vadd.s32 v0, v2  }
0x6d: {  	v8 =	vld [tilespmem:$0x10];
	[tilespmem:$0x60] =	vst v2;
	v2 =	vadd.s32 v0, v3  }
0x6e: {  	v3 =	vadd.s32 v0, v4;
	v4 =	vld [tilespmem:$0x40];
	[tilespmem:$0x70] =	vst v2  }
0x6f: {  	[tilespmem:$0x20] =	vst v3;
	v2 =	vadd.s32 v0, v5  }
0x70: {  	v3 =	vadd.s32 v0, v6;
	[tilespmem:$0x30] =	vst v2  }
0x71: {  	[tilespmem:$0x0] =	vst v3;
	v2 =	vadd.s32 v0, v7  }
0x72: {  	v3 =	vadd.s32 v0, v8;
	[tilespmem:$0x50] =	vst v2  }
0x73: {  	[tilespmem:$0x10] =	vst v3;
	v2 =	vadd.s32 v0, v4  }
0x74: {  	[tilespmem:$0x40] =	vst v2  }
0x75: {  	[tilespmem:s8], [sflag:$0x1] =	stream.indirect.gather [hbm4b:s2+s7], $0x80, s3, s7, $0xb8;
	[tilespmem:$0x8080] =	vst v63  }
0x76: {  	_ =	swait.ge [sflag:s6], $0x4000  }
.Ltmp3:
0x77: {  	[sflag:s6] =	ssyncset.done $0x0;
	(pc) =	sbr.rel @p1 .LBB2_3-.Ltmp3, $4  }
0x78: {  	[sflag:s6] =	ssyncadd.s32 $0xFFFFC000  }
0x79: {  	[hbm4b:s4+s3] =	stream.linear.scatter [tilespmem:s8], [sflag:$0x2], $0x4000, $0x38;
	[tilespmem:$0x8080] =	vst v63  }
0x7a: {  	_ =	swait.ge [sflag:s5], $0x4000  }
0x7b: {  	[sflag:s5] =	ssyncset.done $0x0  }
.LBB2_4:
0x7c: {  	[sflag:s5] =	ssyncadd.s32 @p0 $0xFFFFC000  }
0x7d: {  	[tilespmem:s3], [sflag:$0x2] =	stream.linear.gather [hbm4b:s12+s3], $0x80, $0x38;
	[tilespmem:$0x8080] =	vst v63  }
0x7e: {  	_ =	swait.ge [sflag:s5], $0x80  }
0x7f: {  	[sflag:s5] =	ssyncset.done $0x0  }
0x80: {  	[sflag:s5] =	ssyncadd.s32 $0xFFFFFF80  }
0x81: {  	v2 =	vld [tilespmem:$0x40]  }
0x82: {  	v3 =	vld [tilespmem:$0x60]  }
0x83: {  	v4 =	vld [tilespmem:$0x30]  }
0x84: {  	v5 =	vld [tilespmem:$0x70]  }
0x85: {  	v6 =	vld [tilespmem:$0x20]  }
0x86: {  	v7 =	vld [tilespmem:$0x50];
	v2 =	vadd.s32 v1, v2  }
0x87: {  	v8 =	vld [tilespmem:$0x0];
	v42 =	vadd.s32 v1, v3;
	[tilespmem:$0x40] =	vst v2  }
0x88: {  	v43 =	vld [tilespmem:$0x10];
	v4 =	vadd.s32 v1, v4;
	[tilespmem:$0x60] =	vst v42  }
0x89: {  	v44 =	vadd.s32 v1, v5;
	[tilespmem:$0x30] =	vst v4  }
0x8a: {  	v45 =	vadd.s32 v1, v6;
	[tilespmem:$0x70] =	vst v44  }
0x8b: {  	v46 =	vadd.s32 v1, v7;
	[tilespmem:$0x20] =	vst v45  }
0x8c: {  	v47 =	vadd.s32 v1, v8;
	[tilespmem:$0x50] =	vst v46  }
0x8d: {  	v48 =	vadd.s32 v1, v43;
	[tilespmem:$0x0] =	vst v47  }
0x8e: {  	[tilespmem:$0x10] =	vst v48  }
0x8f: {  	[tilespmem:s7], [sflag:$0x1] =	stream.indirect.gather [hbm4b:s10+s7], $0x80, s3, s7, $0xb8;
	[tilespmem:$0x8080] =	vst v63  }
0x90: {  	_ =	swait.ge [sflag:s6], $0x4000  }
0x91: {  	[sflag:s6] =	ssyncset.done $0x0  }
0x92: {  	[sflag:s6] =	ssyncadd.s32 $0xFFFFC000  }
0x93: {  	[hbm4b:s11+s3] =	stream.linear.scatter [tilespmem:s7], [sflag:$0x2], $0x4000, $0x38;
	[tilespmem:$0x8080] =	vst v63  }
0x94: {  	_ =	swait.ge [sflag:s5], $0x4000  }
0x95: {  	[sflag:s5] =	ssyncset.done $0x0  }
0x96: {  	[sflag:s5] =	ssyncadd.s32 $0xFFFFC000  }
0x97: {  	[tilespmem:s3], [sflag:$0x2] =	stream.linear.gather [hbm4b:s9+s3], $0x80, $0x38;
	[tilespmem:$0x8080] =	vst v63  }
0x98: {  	_ =	swait.ge [sflag:s5], $0x80  }
0x99: {  	[sflag:s5] =	ssyncset.done $0x0  }
0x9a: {  	[sflag:s5] =	ssyncadd.s32 $0xFFFFFF80  }
0x9b: {  	v49 =	vld [tilespmem:$0x60]  }
0x9c: {  	v50 =	vld [tilespmem:$0x70]  }
0x9d: {  	v51 =	vld [tilespmem:$0x20]  }
0x9e: {  	v52 =	vld [tilespmem:$0x30]  }
0x9f: {  	v53 =	vld [tilespmem:$0x0]  }
0xa0: {  	v54 =	vld [tilespmem:$0x50];
	v1 =	vadd.s32 v0, v49  }
0xa1: {  	v55 =	vld [tilespmem:$0x10];
	v56 =	vadd.s32 v0, v50;
	[tilespmem:$0x60] =	vst v1  }
0xa2: {  	v58 =	vld [tilespmem:$0x40];
	v57 =	vadd.s32 v0, v51;
	[tilespmem:$0x70] =	vst v56  }
0xa3: {  	v59 =	vadd.s32 v0, v52;
	[tilespmem:$0x20] =	vst v57  }
0xa4: {  	v60 =	vadd.s32 v0, v53;
	[tilespmem:$0x30] =	vst v59  }
0xa5: {  	v61 =	vadd.s32 v0, v54;
	[tilespmem:$0x0] =	vst v60  }
0xa6: {  	v62 =	vadd.s32 v0, v55;
	[tilespmem:$0x50] =	vst v61  }
0xa7: {  	v63 =	vadd.s32 v0, v58;
	[tilespmem:$0x10] =	vst v62  }
0xa8: {  	[tilespmem:$0x40] =	vst v63  }
0xa9: {  	[tilespmem:s8], [sflag:$0x1] =	stream.indirect.gather [hbm4b:s2+s7], $0x80, s3, s7, $0xb8;
	[tilespmem:$0x8080] =	vst v63  }
0xaa: {  	_ =	swait.ge [sflag:s6], $0x4000  }
0xab: {  	[sflag:s6] =	ssyncset.done $0x0  }
0xac: {  	[sflag:s6] =	ssyncadd.s32 $0xFFFFC000  }
0xad: {  	[hbm4b:s4+s3] =	stream.linear.scatter [tilespmem:s8], [sflag:$0x2], $0x4000, $0x38;
	[tilespmem:$0x8080] =	vst v63  }
0xae: {  	_ =	swait.ge [sflag:s5], $0x4000  }
0xaf: {  	[sflag:s5] =	ssyncset.done $0x0  }
0xb0: {  	[sflag:s5] =	ssyncadd.s32 $0xFFFFC000  }
.LBB2_5:
0xb1: {  	_ =	sfence.sel $0x180000  }
0xb2: {  	[bflag:$0x0] =	sbarrier.arrive $0xFFFF  }
0xb3: {  	p0 =	sne.s32 s1, $0x0;
	_ =	strace $0x90000047  }
0xb4: {  	s0 =	sadd.s32 @!p0 $0x100000, s0;
	[bflag:$0x2] =	sbarrier.arrive $0xFFFF  }
0xb5: {  	[sflag:s0] =	ssyncadd.tile.s32 @!p0 $0x1;
	_ =	shalt  }
.Lfunc_end2:
_tile_overlayer_lowered:
.L_overlay_start_2:
0xb6: {  	(tag) =	ssettag $0x2  }
0xb7: {  	s0 =	rddreg [dreg:$0x0];
	s2 =	stileid.u32  }
0xb8: {  	s1 =	rddreg [dreg:$0x1];
	p0 =	sne.s32 s2, $0x0  }
0xb9: {  	s3 =	rddreg [dreg:$0x2];
	[bflag:$0x3] =	sbarrier.arrive $0xFFFF;
	s2 =	simm.s32 @!p0 $0x1C02  }
0xba: {  	[timem:s3], [sflag:s2] =	dma.local @!p0 [hbm:s0], s1  }
0xbb: {  	s0 =	simm.s32 @!p0 $0x2  }
0xbc: {  	_ =	swait.ge @!p0 [sflag:s0], s1  }
0xbd: {  	s1 =	ssub.s32 @!p0 $0x0, s1;
	[sflag:s0] =	ssyncset.done @!p0 $0x0  }
0xbe: {  	[sflag:s0] =	ssyncadd.s32 @!p0 s1  }
0xbf: {  	[bflag:$0x3] =	sbarrier.arrive $0xFFFF  }
0xc0: {  	_ =	shalt  }

</sc_bundles>
